<compile_context>
chip_gen: v7x
topology: tpu7x:2x2x1
jax: 0.10.2.dev20260603
libtpu: 0.0.44.dev20260713+nightly
codegen_flags: <defaults>
</compile_context>

<pallas_src>
import functools

import jax
import jax.numpy as jnp
from jax import lax
from jax.experimental import pallas as pl
from jax.experimental.pallas import tpu as pltpu



def _mm_kernel(x_ref, w1_ref, b1_ref, w2_ref, out_ref, acc_ref, *, nk):
    j = pl.program_id(1)
    k = pl.program_id(2)

    part = jnp.dot(x_ref[...], w1_ref[...], preferred_element_type=jnp.float32)

    @pl.when(k == 0)
    def _():
        acc_ref[...] = part

    @pl.when(k > 0)
    def _():
        acc_ref[...] = acc_ref[...] + part

    @pl.when(k == nk - 1)
    def _():
        h = jnp.maximum(acc_ref[...] + b1_ref[...], 0.0)
        contrib = jnp.dot(h, w2_ref[...], preferred_element_type=jnp.float32)

        @pl.when(j == 0)
        def _():
            out_ref[...] = contrib

        @pl.when(j > 0)
        def _():
            out_ref[...] = out_ref[...] + contrib


def _router_logits(x, w1, b1r, w2p, *, bi, bj, bk):
    s, h = x.shape
    ni, nj, nk = s // bi, h // bj, h // bk
    return pl.pallas_call(
        functools.partial(_mm_kernel, nk=nk),
        grid=(ni, nj, nk),
        in_specs=[
            pl.BlockSpec((bi, bk), lambda i, j, k: (i, k)),
            pl.BlockSpec((bk, bj), lambda i, j, k: (k, j)),
            pl.BlockSpec((1, bj), lambda i, j, k: (0, j)),
            pl.BlockSpec((bj, 128), lambda i, j, k: (j, 0)),
        ],
        out_specs=pl.BlockSpec((bi, 128), lambda i, j, k: (i, 0)),
        out_shape=jax.ShapeDtypeStruct((s, 128), jnp.float32),
        scratch_shapes=[pltpu.VMEM((bi, bj), jnp.float32)],
    )(x, w1, b1r, w2p)



def _route_kernel(logits_ref, b2_ref, probs_ref, disp_ref, comb_ref, aux_ref,
                  carry_ref, psum_ref, *, nb, bs, E, CAP, S, K):
    b = pl.program_id(0)

    @pl.when(b == 0)
    def _():
        carry_ref[...] = jnp.zeros_like(carry_ref)
        psum_ref[...] = jnp.zeros_like(psum_ref)

    lane = lax.broadcasted_iota(jnp.int32, (bs, 128), 1)
    valid = lane < E

    logit = jnp.where(valid, logits_ref[...] + b2_ref[...], -1e30)
    m = jnp.max(logit, axis=1, keepdims=True)
    ex = jnp.where(valid, jnp.exp(logit - m), 0.0)
    denom = jnp.sum(ex, axis=1, keepdims=True)
    probs = ex / denom
    probs_ref[...] = probs

    v0 = jnp.max(probs, axis=1, keepdims=True)
    idx0 = jnp.min(jnp.where(probs == v0, lane, 127), axis=1, keepdims=True)
    masked = jnp.where(lane == idx0, -1.0, probs)
    v1 = jnp.max(masked, axis=1, keepdims=True)
    idx1 = jnp.min(jnp.where(masked == v1, lane, 127), axis=1, keepdims=True)

    nrm = v0 + v1 + 1e-8
    p0 = v0 / nrm
    p1 = v1 / nrm

    oh0 = (lane == idx0).astype(jnp.float32)
    oh1 = (lane == idx1).astype(jnp.float32)
    rowcnt = oh0 + oh1

    r_io = lax.broadcasted_iota(jnp.int32, (bs, bs), 0)
    c_io = lax.broadcasted_iota(jnp.int32, (bs, bs), 1)
    tri = (c_io < r_io).astype(jnp.float32)
    excl = jnp.dot(tri, rowcnt, preferred_element_type=jnp.float32)
    excl = excl + carry_ref[...]

    pos0 = jnp.sum(excl * oh0, axis=1, keepdims=True).astype(jnp.int32)
    pos1 = jnp.sum(excl * oh1, axis=1, keepdims=True).astype(jnp.int32)

    carry_ref[...] = carry_ref[...] + jnp.sum(rowcnt, axis=0, keepdims=True)
    psum_ref[...] = psum_ref[...] + jnp.sum(probs, axis=0, keepdims=True)

    flat0 = jnp.where(pos0 < CAP, idx0 * CAP + pos0, -1)
    flat1 = jnp.where(pos1 < CAP, idx1 * CAP + pos1, -1)

    col = lax.broadcasted_iota(jnp.int32, (bs, E * CAP), 1)
    hit0 = col == flat0
    hit1 = col == flat1
    disp_ref[...] = hit0.astype(jnp.float32) + hit1.astype(jnp.float32)
    comb_ref[...] = (jnp.where(hit0, p0, 0.0) + jnp.where(hit1, p1, 0.0))

    @pl.when(b == nb - 1)
    def _():
        usage = carry_ref[...] / float(S * K)
        pmean = psum_ref[...] / float(S)
        aux_ref[...] = jnp.sum(usage * pmean).reshape(1, 1) * float(E)


def _route(logits, b2p, *, bs, E, CAP, S, K):
    nb = S // bs
    return pl.pallas_call(
        functools.partial(_route_kernel, nb=nb, bs=bs, E=E, CAP=CAP, S=S, K=K),
        grid=(nb,),
        in_specs=[
            pl.BlockSpec((bs, 128), lambda b: (b, 0)),
            pl.BlockSpec((1, 128), lambda b: (0, 0)),
        ],
        out_specs=[
            pl.BlockSpec((bs, 128), lambda b: (b, 0)),
            pl.BlockSpec((bs, E * CAP), lambda b: (b, 0)),
            pl.BlockSpec((bs, E * CAP), lambda b: (b, 0)),
            pl.BlockSpec((1, 1), lambda b: (0, 0)),
        ],
        out_shape=[
            jax.ShapeDtypeStruct((S, 128), jnp.float32),
            jax.ShapeDtypeStruct((S, E * CAP), jnp.float32),
            jax.ShapeDtypeStruct((S, E * CAP), jnp.float32),
            jax.ShapeDtypeStruct((1, 1), jnp.float32),
        ],
        scratch_shapes=[
            pltpu.VMEM((1, 128), jnp.float32),
            pltpu.VMEM((1, 128), jnp.float32),
        ],
    )(logits, b2p)



def kernel(hidden_states, W1, b1, W2, b2):
    B, S, H = hidden_states.shape
    E = W2.shape[1]
    K = 2
    CF = 1.5
    CAP = int(B * S * CF * K / E)

    x = hidden_states.reshape(B * S, H)
    w2p = jnp.pad(W2, ((0, 0), (0, 128 - E)))
    b2p = jnp.pad(b2, (0, 128 - E)).reshape(1, 128)
    b1r = b1.reshape(1, H)

    logits = _router_logits(x, W1, b1r, w2p, bi=512, bj=512, bk=512)
    probs_p, disp, comb, aux = _route(logits, b2p, bs=128,
                                      E=E, CAP=CAP, S=B * S, K=K)

    dispatch = disp.reshape(B, S, E, CAP)
    combine = comb.reshape(B, S, E, CAP)
    router_probs = probs_p[:, :E].reshape(B, S, E)
    return dispatch, combine, router_probs, aux[0, 0]

# --- scband reference (transcript-rebuilt; emitter-appended) ---
"""Pipeline reference for scband-base-router-22170621182522 (READ-ONLY COPY).

The authoritative reference and input builder live on the scoring server;
editing this copy changes nothing except your own understanding.
"""

import jax, jax.numpy as jnp
import numpy as np

B, S, H, E, K = 1, 2048, 4096, 8, 2
CF = 1.5
CAP = int(B * S * CF * K / E)  # 768


def setup_inputs(seed: int = 0) -> dict:
    key = jax.random.key(seed)
    k1, k2, k3 = jax.random.split(key, 3)
    hidden_states = jax.random.normal(k1, (B, S, H), dtype=jnp.float32)
    # xavier_normal init for the two Linear layers (bias zeros)
    W1 = jax.random.normal(k2, (H, H), dtype=jnp.float32) * np.sqrt(2.0 / (H + H))
    b1 = jnp.zeros((H,), dtype=jnp.float32)
    W2 = jax.random.normal(k3, (H, E), dtype=jnp.float32) * np.sqrt(2.0 / (H + E))
    b2 = jnp.zeros((E,), dtype=jnp.float32)
    return {"hidden_states": hidden_states, "W1": W1, "b1": b1, "W2": W2, "b2": b2}


def reference(hidden_states, W1, b1, W2, b2):
    # router MLP: Linear -> ReLU -> (Dropout p=0) -> Linear
    h = jnp.maximum(hidden_states @ W1 + b1, 0.0)
    router_logits = h @ W2 + b2
    router_probs = jax.nn.softmax(router_logits, axis=-1)
    top_k_probs, top_k_indices = jax.lax.top_k(router_probs, K)
    top_k_probs = top_k_probs / (jnp.sum(top_k_probs, axis=-1, keepdims=True) + 1e-8)

    # capacity-constrained dispatch/combine, matching the sequential (b, s, k)
    # assignment order of the torch loop
    flat_e = top_k_indices.reshape(-1)  # [B*S*K], row-major == torch loop order
    flat_p = top_k_probs.reshape(-1)
    oh = jax.nn.one_hot(flat_e, E, dtype=jnp.int32)
    pos = jnp.sum(jnp.cumsum(oh, axis=0) * oh, axis=-1) - 1  # position within expert
    keep = pos < CAP
    pos_c = jnp.where(keep, pos, CAP)  # out-of-bounds index -> dropped by mode='drop'
    N = B * S * K
    token = jnp.arange(N) // K
    b_idx = token // S
    s_idx = token % S
    dispatch_tensor = jnp.zeros((B, S, E, CAP), dtype=router_probs.dtype).at[
        b_idx, s_idx, flat_e, pos_c].set(1.0, mode='drop')
    combine_tensor = jnp.zeros((B, S, E, CAP), dtype=router_probs.dtype).at[
        b_idx, s_idx, flat_e, pos_c].set(flat_p, mode='drop')

    # load balancing aux loss
    router_prob_per_expert = jnp.mean(router_probs, axis=(0, 1))
    expert_mask = jax.nn.one_hot(top_k_indices, E, dtype=jnp.float32)
    expert_usage_rate = jnp.mean(expert_mask, axis=(0, 1, 2))
    aux_loss = jnp.sum(router_prob_per_expert * expert_usage_rate) * E
    return dispatch_tensor, combine_tensor, router_probs, aux_loss

if __name__ == "__main__":
    import jax
    _d = setup_inputs()
    print(jax.jit(kernel)(*tuple(_d.values())))

</pallas_src>

<mosaic_0001>
module attributes {stable_mosaic.version = 14 : i64} {
  func.func @_mm_kernel(%arg0: i32, %arg1: i32, %arg2: i32, %arg3: memref<512x512xf32, #tpu.memory_space<vmem>>, %arg4: memref<512x512xf32, #tpu.memory_space<vmem>>, %arg5: memref<1x512xf32, #tpu.memory_space<vmem>>, %arg6: memref<512x128xf32, #tpu.memory_space<vmem>>, %arg7: memref<512x128xf32, #tpu.memory_space<vmem>>, %arg8: memref<512x512xf32, #tpu.memory_space<vmem>>) attributes {dimension_semantics = [#tpu.dimension_semantics<arbitrary>, #tpu.dimension_semantics<arbitrary>, #tpu.dimension_semantics<arbitrary>], iteration_bounds = array<i64: 4, 8, 8>, scalar_prefetch = 0 : i64, scratch_operands = 1 : i64, tpu.core_type = #tpu.core_type<tc>, window_params = [{transform_indices = @transform_0, window_bounds = array<i64: 512, 512>}, {transform_indices = @transform_1, window_bounds = array<i64: 512, 512>}, {transform_indices = @transform_2, window_bounds = array<i64: 1, 512>}, {transform_indices = @transform_3, window_bounds = array<i64: 512, 128>}, {transform_indices = @transform_4, window_bounds = array<i64: 512, 128>}]} {
    %get3A = arith.constant 0 : index
    %get3A_0 = arith.constant 0 : index
    %get3A_1 = vector.load %arg3[%get3A, %get3A_0] : memref<512x512xf32, #tpu.memory_space<vmem>>, vector<512x512xf32>
    %get3A_2 = arith.constant 0 : index
    %get3A_3 = arith.constant 0 : index
    %get3A_4 = vector.load %arg4[%get3A_2, %get3A_3] : memref<512x512xf32, #tpu.memory_space<vmem>>, vector<512x512xf32>
    %dot_general3A = arith.constant dense<0.000000e+00> : vector<512x512xf32>
    %dot_general3A_5 = tpu.matmul %get3A_1, %get3A_4, %dot_general3A {dimension_numbers = #tpu.dot_dimension_numbers<[1], [0], [0], [1], [0, 0, 1, 1], [], []>, transpose_lhs_hint = false} : vector<512x512xf32>, vector<512x512xf32>, vector<512x512xf32> -> vector<512x512xf32>
    %eq3A = arith.constant 0 : i32
    %eq3A_6 = arith.cmpi eq, %arg2, %eq3A : i32
    %convert_element_type3A = arith.extui %eq3A_6 : i1 to i32
    %cond3A = arith.constant 0 : i32
    %cond3A_7 = arith.cmpi ne, %convert_element_type3A, %cond3A : i32
    scf.if %cond3A_7 {
      %swap3A = arith.constant 0 : index
      %swap3A_17 = arith.constant 0 : index
      %swap3A_18 = vector.load %arg8[%swap3A, %swap3A_17] : memref<512x512xf32, #tpu.memory_space<vmem>>, vector<512x512xf32>
      tpu.vector_store %arg8[%swap3A, %swap3A_17], %dot_general3A_5 {strides = array<i32>} : memref<512x512xf32, #tpu.memory_space<vmem>>, vector<512x512xf32>,
    } else {
    }
    %gt3A = arith.constant 0 : i32
    %gt3A_8 = arith.cmpi sgt, %arg2, %gt3A : i32
    %convert_element_type3A_9 = arith.extui %gt3A_8 : i1 to i32
    %cond3A_10 = arith.constant 0 : i32
    %cond3A_11 = arith.cmpi ne, %convert_element_type3A_9, %cond3A_10 : i32
    scf.if %cond3A_11 {
      %get3A_17 = arith.constant 0 : index
      %get3A_18 = arith.constant 0 : index
      %get3A_19 = vector.load %arg8[%get3A_17, %get3A_18] : memref<512x512xf32, #tpu.memory_space<vmem>>, vector<512x512xf32>
      %add3A = arith.addf %get3A_19, %dot_general3A_5 : vector<512x512xf32>
      %swap3A = arith.constant 0 : index
      %swap3A_20 = arith.constant 0 : index
      %swap3A_21 = vector.load %arg8[%swap3A, %swap3A_20] : memref<512x512xf32, #tpu.memory_space<vmem>>, vector<512x512xf32>
      tpu.vector_store %arg8[%swap3A, %swap3A_20], %add3A {strides = array<i32>} : memref<512x512xf32, #tpu.memory_space<vmem>>, vector<512x512xf32>,
    } else {
    }
    %eq3A_12 = arith.constant 7 : i32
    %eq3A_13 = arith.cmpi eq, %arg2, %eq3A_12 : i32
    %convert_element_type3A_14 = arith.extui %eq3A_13 : i1 to i32
    %cond3A_15 = arith.constant 0 : i32
    %cond3A_16 = arith.cmpi ne, %convert_element_type3A_14, %cond3A_15 : i32
    scf.if %cond3A_16 {
      %get3A_17 = arith.constant 0 : index
      %get3A_18 = arith.constant 0 : index
      %get3A_19 = vector.load %arg8[%get3A_17, %get3A_18] : memref<512x512xf32, #tpu.memory_space<vmem>>, vector<512x512xf32>
      %get3A_20 = arith.constant 0 : index
      %get3A_21 = arith.constant 0 : index
      %get3A_22 = vector.load %arg5[%get3A_20, %get3A_21] : memref<1x512xf32, #tpu.memory_space<vmem>>, vector<1x512xf32>
      %add3A = vector.broadcast %get3A_22 : vector<1x512xf32> to vector<512x512xf32>
      %add3A_23 = arith.addf %get3A_19, %add3A : vector<512x512xf32>
      %max3A = arith.constant 0.000000e+00 : f32
      %max3A_24 = vector.broadcast %max3A : f32 to vector<512x512xf32>
      %max3A_25 = arith.maximumf %add3A_23, %max3A_24 : vector<512x512xf32>
      %get3A_26 = arith.constant 0 : index
      %get3A_27 = arith.constant 0 : index
      %get3A_28 = vector.load %arg6[%get3A_26, %get3A_27] : memref<512x128xf32, #tpu.memory_space<vmem>>, vector<512x128xf32>
      %dot_general3A_29 = arith.constant dense<0.000000e+00> : vector<512x128xf32>
      %dot_general3A_30 = tpu.matmul %max3A_25, %get3A_28, %dot_general3A_29 {dimension_numbers = #tpu.dot_dimension_numbers<[1], [0], [0], [1], [0, 0, 1, 1], [], []>, transpose_lhs_hint = false} : vector<512x512xf32>, vector<512x128xf32>, vector<512x128xf32> -> vector<512x128xf32>
      %eq3A_31 = arith.constant 0 : i32
      %eq3A_32 = arith.cmpi eq, %arg1, %eq3A_31 : i32
      %convert_element_type3A_33 = arith.extui %eq3A_32 : i1 to i32
      %cond3A_34 = arith.constant 0 : i32
      %cond3A_35 = arith.cmpi ne, %convert_element_type3A_33, %cond3A_34 : i32
      scf.if %cond3A_35 {
        %swap3A = arith.constant 0 : index
        %swap3A_41 = arith.constant 0 : index
        %swap3A_42 = vector.load %arg7[%swap3A, %swap3A_41] : memref<512x128xf32, #tpu.memory_space<vmem>>, vector<512x128xf32>
        tpu.vector_store %arg7[%swap3A, %swap3A_41], %dot_general3A_30 {strides = array<i32>} : memref<512x128xf32, #tpu.memory_space<vmem>>, vector<512x128xf32>,
      } else {
      }
      %gt3A_36 = arith.constant 0 : i32
      %gt3A_37 = arith.cmpi sgt, %arg1, %gt3A_36 : i32
      %convert_element_type3A_38 = arith.extui %gt3A_37 : i1 to i32
      %cond3A_39 = arith.constant 0 : i32
      %cond3A_40 = arith.cmpi ne, %convert_element_type3A_38, %cond3A_39 : i32
      scf.if %cond3A_40 {
        %get3A_41 = arith.constant 0 : index
        %get3A_42 = arith.constant 0 : index
        %get3A_43 = vector.load %arg7[%get3A_41, %get3A_42] : memref<512x128xf32, #tpu.memory_space<vmem>>, vector<512x128xf32>
        %add3A_44 = arith.addf %get3A_43, %dot_general3A_30 : vector<512x128xf32>
        %swap3A = arith.constant 0 : index
        %swap3A_45 = arith.constant 0 : index
        %swap3A_46 = vector.load %arg7[%swap3A, %swap3A_45] : memref<512x128xf32, #tpu.memory_space<vmem>>, vector<512x128xf32>
        tpu.vector_store %arg7[%swap3A, %swap3A_45], %add3A_44 {strides = array<i32>} : memref<512x128xf32, #tpu.memory_space<vmem>>, vector<512x128xf32>,
      } else {
      }
    } else {
    }
    return
  }
  func.func @transform_0(%arg0: i32, %arg1: i32, %arg2: i32) -> (i32, i32) {
    %c0_i32 = arith.constant 0 : i32
    return %arg0, %arg2 : i32, i32
  }
  func.func @transform_1(%arg0: i32, %arg1: i32, %arg2: i32) -> (i32, i32) {
    %c0_i32 = arith.constant 0 : i32
    return %arg2, %arg1 : i32, i32
  }
  func.func @transform_2(%arg0: i32, %arg1: i32, %arg2: i32) -> (i32, i32) {
    %c0_i32 = arith.constant 0 : i32
    %c0_i32_0 = arith.constant 0 : i32
    return %c0_i32, %arg1 : i32, i32
  }
  func.func @transform_3(%arg0: i32, %arg1: i32, %arg2: i32) -> (i32, i32) {
    %c0_i32 = arith.constant 0 : i32
    %c0_i32_0 = arith.constant 0 : i32
    return %arg1, %c0_i32 : i32, i32
  }
  func.func @transform_4(%arg0: i32, %arg1: i32, %arg2: i32) -> (i32, i32) {
    %c0_i32 = arith.constant 0 : i32
    %c0_i32_0 = arith.constant 0 : i32
    return %arg0, %c0_i32 : i32, i32
  }
}

module attributes {stable_mosaic.version = 14 : i64} {
  func.func @_route_kernel(%arg0: i32, %arg1: memref<128x128xf32, #tpu.memory_space<vmem>>, %arg2: memref<1x128xf32, #tpu.memory_space<vmem>>, %arg3: memref<128x128xf32, #tpu.memory_space<vmem>>, %arg4: memref<128x6144xf32, #tpu.memory_space<vmem>>, %arg5: memref<128x6144xf32, #tpu.memory_space<vmem>>, %arg6: memref<1x1xf32, #tpu.memory_space<vmem>>, %arg7: memref<1x128xf32, #tpu.memory_space<vmem>>, %arg8: memref<1x128xf32, #tpu.memory_space<vmem>>) attributes {dimension_semantics = [#tpu.dimension_semantics<arbitrary>], iteration_bounds = array<i64: 16>, scalar_prefetch = 0 : i64, scratch_operands = 2 : i64, tpu.core_type = #tpu.core_type<tc>, window_params = [{transform_indices = @transform_0, window_bounds = array<i64: 128, 128>}, {pipeline_mode = #tpu.pipeline_mode<synchronous>, transform_indices = @transform_1, window_bounds = array<i64: 1, 128>}, {transform_indices = @transform_2, window_bounds = array<i64: 128, 128>}, {transform_indices = @transform_3, window_bounds = array<i64: 128, 6144>}, {transform_indices = @transform_4, window_bounds = array<i64: 128, 6144>}, {pipeline_mode = #tpu.pipeline_mode<synchronous>, transform_indices = @transform_5, window_bounds = array<i64: 1, 1>}]} {
    %eq3A = arith.constant 0 : i32
    %eq3A_0 = arith.cmpi eq, %arg0, %eq3A : i32
    %convert_element_type3A = arith.extui %eq3A_0 : i1 to i32
    %cond3A = arith.constant 0 : i32
    %cond3A_1 = arith.cmpi ne, %convert_element_type3A, %cond3A : i32
    scf.if %cond3A_1 {
      %broadcast_in_dim3A_154 = arith.constant 0.000000e+00 : f32
      %broadcast_in_dim3A_155 = vector.broadcast %broadcast_in_dim3A_154 : f32 to vector<1x128xf32>
      %swap3A_156 = arith.constant 0 : index
      %swap3A_157 = arith.constant 0 : index
      %swap3A_158 = vector.load %arg7[%swap3A_156, %swap3A_157] : memref<1x128xf32, #tpu.memory_space<vmem>>, vector<1x128xf32>
      tpu.vector_store %arg7[%swap3A_156, %swap3A_157], %broadcast_in_dim3A_155 {strides = array<i32>} : memref<1x128xf32, #tpu.memory_space<vmem>>, vector<1x128xf32>,
      %broadcast_in_dim3A_159 = arith.constant 0.000000e+00 : f32
      %broadcast_in_dim3A_160 = vector.broadcast %broadcast_in_dim3A_159 : f32 to vector<1x128xf32>
      %swap3A_161 = arith.constant 0 : index
      %swap3A_162 = arith.constant 0 : index
      %swap3A_163 = vector.load %arg8[%swap3A_161, %swap3A_162] : memref<1x128xf32, #tpu.memory_space<vmem>>, vector<1x128xf32>
      tpu.vector_store %arg8[%swap3A_161, %swap3A_162], %broadcast_in_dim3A_160 {strides = array<i32>} : memref<1x128xf32, #tpu.memory_space<vmem>>, vector<1x128xf32>,
    } else {
    }
    %iota3A = tpu.iota {dimensions = array<i32: 1>} : vector<128x128xi32>
    %lt3A = arith.constant 8 : i32
    %lt3A_2 = vector.broadcast %lt3A : i32 to vector<128x128xi32>
    %lt3A_3 = arith.cmpi slt, %iota3A, %lt3A_2 : vector<128x128xi32>
    %get3A = arith.constant 0 : index
    %get3A_4 = arith.constant 0 : index
    %get3A_5 = vector.load %arg1[%get3A, %get3A_4] : memref<128x128xf32, #tpu.memory_space<vmem>>, vector<128x128xf32>
    %get3A_6 = arith.constant 0 : index
    %get3A_7 = arith.constant 0 : index
    %get3A_8 = vector.load %arg2[%get3A_6, %get3A_7] : memref<1x128xf32, #tpu.memory_space<vmem>>, vector<1x128xf32>
    %add3A = vector.broadcast %get3A_8 : vector<1x128xf32> to vector<128x128xf32>
    %add3A_9 = arith.addf %get3A_5, %add3A : vector<128x128xf32>
    %jit3A = arith.constant -1.000000e+30 : f32
    %broadcast_in_dim3A = vector.broadcast %jit3A : f32 to vector<128x128xf32>
    %select_n3A = arith.select %lt3A_3, %add3A_9, %broadcast_in_dim3A : vector<128x128xi1>, vector<128x128xf32>
    %reduce_max3A = arith.constant dense<0xFF800000> : vector<128xf32>
    %reduce_max3A_10 = vector.multi_reduction <maximumf>, %select_n3A, %reduce_max3A [1] : vector<128x128xf32> to vector<128xf32>
    %broadcast_in_dim3A_11 = vector.shape_cast %reduce_max3A_10 : vector<128xf32> to vector<128x1xf32>
    %sub3A = vector.broadcast %broadcast_in_dim3A_11 : vector<128x1xf32> to vector<128x128xf32>
    %sub3A_12 = arith.subf %select_n3A, %sub3A : vector<128x128xf32>
    %exp3A = math.exp %sub3A_12 : vector<128x128xf32>
    %jit3A_13 = arith.constant 0.000000e+00 : f32
    %broadcast_in_dim3A_14 = vector.broadcast %jit3A_13 : f32 to vector<128x128xf32>
    %select_n3A_15 = arith.select %lt3A_3, %exp3A, %broadcast_in_dim3A_14 : vector<128x128xi1>, vector<128x128xf32>
    %reduce_sum3A = arith.constant dense<0.000000e+00> : vector<128xf32>
    %reduce_sum3A_16 = vector.multi_reduction <add>, %select_n3A_15, %reduce_sum3A [1] : vector<128x128xf32> to vector<128xf32>
    %broadcast_in_dim3A_17 = vector.shape_cast %reduce_sum3A_16 : vector<128xf32> to vector<128x1xf32>
    %div3A = vector.broadcast %broadcast_in_dim3A_17 : vector<128x1xf32> to vector<128x128xf32>
    %div3A_18 = arith.divf %select_n3A_15, %div3A : vector<128x128xf32>
    %swap3A = arith.constant 0 : index
    %swap3A_19 = arith.constant 0 : index
    %swap3A_20 = vector.load %arg3[%swap3A, %swap3A_19] : memref<128x128xf32, #tpu.memory_space<vmem>>, vector<128x128xf32>
    tpu.vector_store %arg3[%swap3A, %swap3A_19], %div3A_18 {strides = array<i32>} : memref<128x128xf32, #tpu.memory_space<vmem>>, vector<128x128xf32>,
    %reduce_max3A_21 = arith.constant dense<0xFF800000> : vector<128xf32>
    %reduce_max3A_22 = vector.multi_reduction <maximumf>, %div3A_18, %reduce_max3A_21 [1] : vector<128x128xf32> to vector<128xf32>
    %broadcast_in_dim3A_23 = vector.shape_cast %reduce_max3A_22 : vector<128xf32> to vector<128x1xf32>
    %eq3A_24 = vector.broadcast %broadcast_in_dim3A_23 : vector<128x1xf32> to vector<128x128xf32>
    %eq3A_25 = arith.cmpf oeq, %div3A_18, %eq3A_24 : vector<128x128xf32>
    %jit3A_26 = arith.constant 127 : i32
    %broadcast_in_dim3A_27 = vector.broadcast %jit3A_26 : i32 to vector<128x128xi32>
    %select_n3A_28 = arith.select %eq3A_25, %iota3A, %broadcast_in_dim3A_27 : vector<128x128xi1>, vector<128x128xi32>
    %reduce_min3A = arith.constant dense<2147483647> : vector<128xi32>
    %reduce_min3A_29 = vector.multi_reduction <minsi>, %select_n3A_28, %reduce_min3A [1] : vector<128x128xi32> to vector<128xi32>
    %broadcast_in_dim3A_30 = vector.shape_cast %reduce_min3A_29 : vector<128xi32> to vector<128x1xi32>
    %eq3A_31 = vector.broadcast %broadcast_in_dim3A_30 : vector<128x1xi32> to vector<128x128xi32>
    %eq3A_32 = arith.cmpi eq, %iota3A, %eq3A_31 : vector<128x128xi32>
    %jit3A_33 = arith.constant -1.000000e+00 : f32
    %broadcast_in_dim3A_34 = vector.broadcast %jit3A_33 : f32 to vector<128x128xf32>
    %select_n3A_35 = arith.select %eq3A_32, %broadcast_in_dim3A_34, %div3A_18 : vector<128x128xi1>, vector<128x128xf32>
    %reduce_max3A_36 = arith.constant dense<0xFF800000> : vector<128xf32>
    %reduce_max3A_37 = vector.multi_reduction <maximumf>, %select_n3A_35, %reduce_max3A_36 [1] : vector<128x128xf32> to vector<128xf32>
    %broadcast_in_dim3A_38 = vector.shape_cast %reduce_max3A_37 : vector<128xf32> to vector<128x1xf32>
    %eq3A_39 = vector.broadcast %broadcast_in_dim3A_38 : vector<128x1xf32> to vector<128x128xf32>
    %eq3A_40 = arith.cmpf oeq, %select_n3A_35, %eq3A_39 : vector<128x128xf32>
    %jit3A_41 = arith.constant 127 : i32
    %broadcast_in_dim3A_42 = vector.broadcast %jit3A_41 : i32 to vector<128x128xi32>
    %select_n3A_43 = arith.select %eq3A_40, %iota3A, %broadcast_in_dim3A_42 : vector<128x128xi1>, vector<128x128xi32>
    %reduce_min3A_44 = arith.constant dense<2147483647> : vector<128xi32>
    %reduce_min3A_45 = vector.multi_reduction <minsi>, %select_n3A_43, %reduce_min3A_44 [1] : vector<128x128xi32> to vector<128xi32>
    %broadcast_in_dim3A_46 = vector.shape_cast %reduce_min3A_45 : vector<128xi32> to vector<128x1xi32>
    %add3A_47 = arith.addf %broadcast_in_dim3A_23, %broadcast_in_dim3A_38 : vector<128x1xf32>
    %add3A_48 = arith.constant 9.99999993E-9 : f32
    %add3A_49 = vector.broadcast %add3A_48 : f32 to vector<128x1xf32>
    %add3A_50 = arith.addf %add3A_47, %add3A_49 : vector<128x1xf32>
    %div3A_51 = arith.divf %broadcast_in_dim3A_23, %add3A_50 : vector<128x1xf32>
    %div3A_52 = arith.divf %broadcast_in_dim3A_38, %add3A_50 : vector<128x1xf32>
    %eq3A_53 = vector.broadcast %broadcast_in_dim3A_30 : vector<128x1xi32> to vector<128x128xi32>
    %eq3A_54 = arith.cmpi eq, %iota3A, %eq3A_53 : vector<128x128xi32>
    %convert_element_type3A_55 = arith.extui %eq3A_54 : vector<128x128xi1> to vector<128x128xi32>
    %convert_element_type3A_56 = arith.sitofp %convert_element_type3A_55 : vector<128x128xi32> to vector<128x128xf32>
    %eq3A_57 = vector.broadcast %broadcast_in_dim3A_46 : vector<128x1xi32> to vector<128x128xi32>
    %eq3A_58 = arith.cmpi eq, %iota3A, %eq3A_57 : vector<128x128xi32>
    %convert_element_type3A_59 = arith.extui %eq3A_58 : vector<128x128xi1> to vector<128x128xi32>
    %convert_element_type3A_60 = arith.sitofp %convert_element_type3A_59 : vector<128x128xi32> to vector<128x128xf32>
    %add3A_61 = arith.addf %convert_element_type3A_56, %convert_element_type3A_60 : vector<128x128xf32>
    %iota3A_62 = tpu.iota {dimensions = array<i32: 0>} : vector<128x128xi32>
    %iota3A_63 = tpu.iota {dimensions = array<i32: 1>} : vector<128x128xi32>
    %lt3A_64 = arith.cmpi slt, %iota3A_63, %iota3A_62 : vector<128x128xi32>
    %convert_element_type3A_65 = arith.extui %lt3A_64 : vector<128x128xi1> to vector<128x128xi32>
    %convert_element_type3A_66 = arith.sitofp %convert_element_type3A_65 : vector<128x128xi32> to vector<128x128xf32>
    %dot_general3A = arith.constant dense<0.000000e+00> : vector<128x128xf32>
    %dot_general3A_67 = tpu.matmul %convert_element_type3A_66, %add3A_61, %dot_general3A {dimension_numbers = #tpu.dot_dimension_numbers<[1], [0], [0], [1], [0, 0, 1, 1], [], []>, transpose_lhs_hint = false} : vector<128x128xf32>, vector<128x128xf32>, vector<128x128xf32> -> vector<128x128xf32>
    %get3A_68 = arith.constant 0 : index
    %get3A_69 = arith.constant 0 : index
    %get3A_70 = vector.load %arg7[%get3A_68, %get3A_69] : memref<1x128xf32, #tpu.memory_space<vmem>>, vector<1x128xf32>
    %add3A_71 = vector.broadcast %get3A_70 : vector<1x128xf32> to vector<128x128xf32>
    %add3A_72 = arith.addf %dot_general3A_67, %add3A_71 : vector<128x128xf32>
    %mul3A = arith.mulf %add3A_72, %convert_element_type3A_56 : vector<128x128xf32>
    %reduce_sum3A_73 = arith.constant dense<0.000000e+00> : vector<128xf32>
    %reduce_sum3A_74 = vector.multi_reduction <add>, %mul3A, %reduce_sum3A_73 [1] : vector<128x128xf32> to vector<128xf32>
    %broadcast_in_dim3A_75 = vector.shape_cast %reduce_sum3A_74 : vector<128xf32> to vector<128x1xf32>
    %convert_element_type3A_76 = arith.fptosi %broadcast_in_dim3A_75 : vector<128x1xf32> to vector<128x1xi32>
    %mul3A_77 = arith.mulf %add3A_72, %convert_element_type3A_60 : vector<128x128xf32>
    %reduce_sum3A_78 = arith.constant dense<0.000000e+00> : vector<128xf32>
    %reduce_sum3A_79 = vector.multi_reduction <add>, %mul3A_77, %reduce_sum3A_78 [1] : vector<128x128xf32> to vector<128xf32>
    %broadcast_in_dim3A_80 = vector.shape_cast %reduce_sum3A_79 : vector<128xf32> to vector<128x1xf32>
    %convert_element_type3A_81 = arith.fptosi %broadcast_in_dim3A_80 : vector<128x1xf32> to vector<128x1xi32>
    %get3A_82 = arith.constant 0 : index
    %get3A_83 = arith.constant 0 : index
    %get3A_84 = vector.load %arg7[%get3A_82, %get3A_83] : memref<1x128xf32, #tpu.memory_space<vmem>>, vector<1x128xf32>
    %reduce_sum3A_85 = arith.constant dense<0.000000e+00> : vector<128xf32>
    %reduce_sum3A_86 = vector.multi_reduction <add>, %add3A_61, %reduce_sum3A_85 [0] : vector<128x128xf32> to vector<128xf32>
    %broadcast_in_dim3A_87 = vector.shape_cast %reduce_sum3A_86 : vector<128xf32> to vector<1x128xf32>
    %add3A_88 = arith.addf %get3A_84, %broadcast_in_dim3A_87 : vector<1x128xf32>
    %swap3A_89 = arith.constant 0 : index
    %swap3A_90 = arith.constant 0 : index
    %swap3A_91 = vector.load %arg7[%swap3A_89, %swap3A_90] : memref<1x128xf32, #tpu.memory_space<vmem>>, vector<1x128xf32>
    tpu.vector_store %arg7[%swap3A_89, %swap3A_90], %add3A_88 {strides = array<i32>} : memref<1x128xf32, #tpu.memory_space<vmem>>, vector<1x128xf32>,
    %get3A_92 = arith.constant 0 : index
    %get3A_93 = arith.constant 0 : index
    %get3A_94 = vector.load %arg8[%get3A_92, %get3A_93] : memref<1x128xf32, #tpu.memory_space<vmem>>, vector<1x128xf32>
    %reduce_sum3A_95 = arith.constant dense<0.000000e+00> : vector<128xf32>
    %reduce_sum3A_96 = vector.multi_reduction <add>, %div3A_18, %reduce_sum3A_95 [0] : vector<128x128xf32> to vector<128xf32>
    %broadcast_in_dim3A_97 = vector.shape_cast %reduce_sum3A_96 : vector<128xf32> to vector<1x128xf32>
    %add3A_98 = arith.addf %get3A_94, %broadcast_in_dim3A_97 : vector<1x128xf32>
    %swap3A_99 = arith.constant 0 : index
    %swap3A_100 = arith.constant 0 : index
    %swap3A_101 = vector.load %arg8[%swap3A_99, %swap3A_100] : memref<1x128xf32, #tpu.memory_space<vmem>>, vector<1x128xf32>
    tpu.vector_store %arg8[%swap3A_99, %swap3A_100], %add3A_98 {strides = array<i32>} : memref<1x128xf32, #tpu.memory_space<vmem>>, vector<1x128xf32>,
    %lt3A_102 = arith.constant 768 : i32
    %lt3A_103 = vector.broadcast %lt3A_102 : i32 to vector<128x1xi32>
    %lt3A_104 = arith.cmpi slt, %convert_element_type3A_76, %lt3A_103 : vector<128x1xi32>
    %mul3A_105 = arith.constant 768 : i32
    %mul3A_106 = vector.broadcast %mul3A_105 : i32 to vector<128x1xi32>
    %mul3A_107 = arith.muli %broadcast_in_dim3A_30, %mul3A_106 : vector<128x1xi32>
    %add3A_108 = arith.addi %mul3A_107, %convert_element_type3A_76 : vector<128x1xi32>
    %jit3A_109 = arith.constant -1 : i32
    %broadcast_in_dim3A_110 = vector.broadcast %jit3A_109 : i32 to vector<128x1xi32>
    %select_n3A_111 = arith.select %lt3A_104, %add3A_108, %broadcast_in_dim3A_110 : vector<128x1xi1>, vector<128x1xi32>
    %lt3A_112 = arith.constant 768 : i32
    %lt3A_113 = vector.broadcast %lt3A_112 : i32 to vector<128x1xi32>
    %lt3A_114 = arith.cmpi slt, %convert_element_type3A_81, %lt3A_113 : vector<128x1xi32>
    %mul3A_115 = arith.constant 768 : i32
    %mul3A_116 = vector.broadcast %mul3A_115 : i32 to vector<128x1xi32>
    %mul3A_117 = arith.muli %broadcast_in_dim3A_46, %mul3A_116 : vector<128x1xi32>
    %add3A_118 = arith.addi %mul3A_117, %convert_element_type3A_81 : vector<128x1xi32>
    %jit3A_119 = arith.constant -1 : i32
    %broadcast_in_dim3A_120 = vector.broadcast %jit3A_119 : i32 to vector<128x1xi32>
    %select_n3A_121 = arith.select %lt3A_114, %add3A_118, %broadcast_in_dim3A_120 : vector<128x1xi1>, vector<128x1xi32>
    %iota3A_122 = tpu.iota {dimensions = array<i32: 1>} : vector<128x6144xi32>
    %eq3A_123 = vector.broadcast %select_n3A_111 : vector<128x1xi32> to vector<128x6144xi32>
    %eq3A_124 = arith.cmpi eq, %iota3A_122, %eq3A_123 : vector<128x6144xi32>
    %eq3A_125 = vector.broadcast %select_n3A_121 : vector<128x1xi32> to vector<128x6144xi32>
    %eq3A_126 = arith.cmpi eq, %iota3A_122, %eq3A_125 : vector<128x6144xi32>
    %convert_element_type3A_127 = arith.extui %eq3A_124 : vector<128x6144xi1> to vector<128x6144xi32>
    %convert_element_type3A_128 = arith.sitofp %convert_element_type3A_127 : vector<128x6144xi32> to vector<128x6144xf32>
    %convert_element_type3A_129 = arith.extui %eq3A_126 : vector<128x6144xi1> to vector<128x6144xi32>
    %convert_element_type3A_130 = arith.sitofp %convert_element_type3A_129 : vector<128x6144xi32> to vector<128x6144xf32>
    %add3A_131 = arith.addf %convert_element_type3A_128, %convert_element_type3A_130 : vector<128x6144xf32>
    %swap3A_132 = arith.constant 0 : index
    %swap3A_133 = arith.constant 0 : index
    %swap3A_134 = vector.load %arg4[%swap3A_132, %swap3A_133] : memref<128x6144xf32, #tpu.memory_space<vmem>>, vector<128x6144xf32>
    tpu.vector_store %arg4[%swap3A_132, %swap3A_133], %add3A_131 {strides = array<i32>} : memref<128x6144xf32, #tpu.memory_space<vmem>>, vector<128x6144xf32>,
    %jit3A_135 = arith.constant 0.000000e+00 : f32
    %broadcast_in_dim3A_136 = vector.shape_cast %div3A_51 : vector<128x1xf32> to vector<128x1xf32>
    %broadcast_in_dim3A_137 = vector.broadcast %broadcast_in_dim3A_136 : vector<128x1xf32> to vector<128x6144xf32>
    %broadcast_in_dim3A_138 = vector.broadcast %jit3A_135 : f32 to vector<128x6144xf32>
    %select_n3A_139 = arith.select %eq3A_124, %broadcast_in_dim3A_137, %broadcast_in_dim3A_138 : vector<128x6144xi1>, vector<128x6144xf32>
    %jit3A_140 = arith.constant 0.000000e+00 : f32
    %broadcast_in_dim3A_141 = vector.shape_cast %div3A_52 : vector<128x1xf32> to vector<128x1xf32>
    %broadcast_in_dim3A_142 = vector.broadcast %broadcast_in_dim3A_141 : vector<128x1xf32> to vector<128x6144xf32>
    %broadcast_in_dim3A_143 = vector.broadcast %jit3A_140 : f32 to vector<128x6144xf32>
    %select_n3A_144 = arith.select %eq3A_126, %broadcast_in_dim3A_142, %broadcast_in_dim3A_143 : vector<128x6144xi1>, vector<128x6144xf32>
    %add3A_145 = arith.addf %select_n3A_139, %select_n3A_144 : vector<128x6144xf32>
    %swap3A_146 = arith.constant 0 : index
    %swap3A_147 = arith.constant 0 : index
    %swap3A_148 = vector.load %arg5[%swap3A_146, %swap3A_147] : memref<128x6144xf32, #tpu.memory_space<vmem>>, vector<128x6144xf32>
    tpu.vector_store %arg5[%swap3A_146, %swap3A_147], %add3A_145 {strides = array<i32>} : memref<128x6144xf32, #tpu.memory_space<vmem>>, vector<128x6144xf32>,
    %eq3A_149 = arith.constant 15 : i32
    %eq3A_150 = arith.cmpi eq, %arg0, %eq3A_149 : i32
    %convert_element_type3A_151 = arith.extui %eq3A_150 : i1 to i32
    %cond3A_152 = arith.constant 0 : i32
    %cond3A_153 = arith.cmpi ne, %convert_element_type3A_151, %cond3A_152 : i32
    scf.if %cond3A_153 {
      %get3A_154 = arith.constant 0 : index
      %get3A_155 = arith.constant 0 : index
      %get3A_156 = vector.load %arg7[%get3A_154, %get3A_155] : memref<1x128xf32, #tpu.memory_space<vmem>>, vector<1x128xf32>
      %div3A_157 = arith.constant 4.096000e+03 : f32
      %div3A_158 = vector.broadcast %div3A_157 : f32 to vector<1x128xf32>
      %div3A_159 = arith.divf %get3A_156, %div3A_158 : vector<1x128xf32>
      %get3A_160 = arith.constant 0 : index
      %get3A_161 = arith.constant 0 : index
      %get3A_162 = vector.load %arg8[%get3A_160, %get3A_161] : memref<1x128xf32, #tpu.memory_space<vmem>>, vector<1x128xf32>
      %div3A_163 = arith.constant 2.048000e+03 : f32
      %div3A_164 = vector.broadcast %div3A_163 : f32 to vector<1x128xf32>
      %div3A_165 = arith.divf %get3A_162, %div3A_164 : vector<1x128xf32>
      %mul3A_166 = arith.mulf %div3A_159, %div3A_165 : vector<1x128xf32>
      %reduce_sum3A_167 = vector.shape_cast %mul3A_166 : vector<1x128xf32> to vector<1x1x128xf32>
      %reduce_sum3A_168 = arith.constant dense<0.000000e+00> : vector<1xf32>
      %reduce_sum3A_169 = vector.multi_reduction <add>, %reduce_sum3A_167, %reduce_sum3A_168 [1, 2] : vector<1x1x128xf32> to vector<1xf32>
      %reduce_sum3A_170 = vector.shape_cast %reduce_sum3A_169 : vector<1xf32> to vector<1x1x1xf32>
      %reduce_sum3A_171 = vector.extract %reduce_sum3A_170[0, 0, 0] : f32 from vector<1x1x1xf32>
      %reshape3A = vector.broadcast %reduce_sum3A_171 : f32 to vector<1x1xf32>
      %mul3A_172 = arith.constant 8.000000e+00 : f32
      %mul3A_173 = vector.broadcast %mul3A_172 : f32 to vector<1x1xf32>
      %mul3A_174 = arith.mulf %reshape3A, %mul3A_173 : vector<1x1xf32>
      %swap3A_175 = arith.constant 0 : index
      %swap3A_176 = arith.constant 0 : index
      %swap3A_177 = vector.load %arg6[%swap3A_175, %swap3A_176] : memref<1x1xf32, #tpu.memory_space<vmem>>, vector<1x1xf32>
      tpu.vector_store %arg6[%swap3A_175, %swap3A_176], %mul3A_174 {strides = array<i32>} : memref<1x1xf32, #tpu.memory_space<vmem>>, vector<1x1xf32>,
    } else {
    }
    return
  }
  func.func @transform_0(%arg0: i32) -> (i32, i32) {
    %c0_i32 = arith.constant 0 : i32
    %c0_i32_0 = arith.constant 0 : i32
    return %arg0, %c0_i32 : i32, i32
  }
  func.func @transform_1(%arg0: i32) -> (i32, i32) {
    %c0_i32 = arith.constant 0 : i32
    %c0_i32_0 = arith.constant 0 : i32
    %c0_i32_1 = arith.constant 0 : i32
    return %c0_i32, %c0_i32_0 : i32, i32
  }
  func.func @transform_2(%arg0: i32) -> (i32, i32) {
    %c0_i32 = arith.constant 0 : i32
    %c0_i32_0 = arith.constant 0 : i32
    return %arg0, %c0_i32 : i32, i32
  }
  func.func @transform_3(%arg0: i32) -> (i32, i32) {
    %c0_i32 = arith.constant 0 : i32
    %c0_i32_0 = arith.constant 0 : i32
    return %arg0, %c0_i32 : i32, i32
  }
  func.func @transform_4(%arg0: i32) -> (i32, i32) {
    %c0_i32 = arith.constant 0 : i32
    %c0_i32_0 = arith.constant 0 : i32
    return %arg0, %c0_i32 : i32, i32
  }
  func.func @transform_5(%arg0: i32) -> (i32, i32) {
    %c0_i32 = arith.constant 0 : i32
    %c0_i32_0 = arith.constant 0 : i32
    %c0_i32_1 = arith.constant 0 : i32
    return %c0_i32, %c0_i32_0 : i32, i32
  }
}

</mosaic_0001>

<sc_bundles>
// kernel: sparse-core-data-format-call.1.cloned.1.call-start
scs
called_computation.1_lowered:
.L_overlay_start_0:
0x0: {  	s2 =	sld [smem:$0x3FD9]  }
0x1: {  	s3 =	sld [smem:$0x3FFE];
	_ =	sdelay $0x1  }
0x2: {  	s1 =	srdreg.scid  }
0x3: {  	s0 =	sand.u32 $0x1, s1  }
0x4: {  	s16 =	sshll.u32 s0, $0xA;
	s2 =	sadd.s32 s3, s2  }
0x5: {  	s2 =	sadd.s32 s2, s16  }
0x6: {  	[smem:$0x3FC3] =	sst s2  }
0x7: {  	_ = 	snop  }
0x8: {  	s2 =	sld [smem:$0x3FD0];
	_ =	sdelay $0x2  }
0x9: {  	s17 =	simm.s32 $0xB;
	s4 =	simm.s32 $0x10  }
0xa: {  	[smem:s4], [sflag:s17] =	dma.local [hbm:s2], $0x1  }
0xb: {  	_ =	swait.eq [sflag:s17], $0x1  }
0xc: {  	[sflag:s17] =	ssyncset.done $0x0  }
0xd: {  	[sflag:s17] =	ssyncadd.s32 $0xFFFFFFFF  }
0xe: {  	s18 =	sld [smem:$0x10];
	(tm) =	ssettm $0x1  }
0xf: {  	s19 =	sld [smem:$0x3FFB];
	_ =	sdelay $0x3  }
0x10: {  	_ =	strace s19  }
0x11: {  	s2 =	sld [smem:$0x3FFC];
	_ =	sdelay $0x3  }
0x12: {  	_ =	strace s2  }
0x13: {  	s2 =	sld [smem:$0x3FFD];
	_ =	sdelay $0x3  }
0x14: {  	_ =	strace s2  }
0x15: {  	_ =	strace $0x8FFFFFFF  }
0x16: {  	s20 =	sld [smem:$0x3FDB];
	_ =	sdelay $0x1  }
0x17: {  	s21 =	simm.s32 $_scs_section_size  }
0x18: {  	s5 =	simm.s32 $_size__tile_overlayer_lowered;
	s6 =	simm.s32 $_tile_overlayer_lowered  }
0x19: {  	s7 =	simm.s32 $0x1BFF;
	s22 =	sshll.u32 s6, $0x1;
	s4 =	sadd.s32 s21, s20  }
0x1a: {  	s23 =	simm.s32 $0x0;
	s5 =	sshll.u32 s5, $0x1;
	s6 =	sadd.s32 s22, s4  }
0x1b: {  	[timem:s23], [sflag:s7] =	dma.local [hbm:s6], s5  }
0x1c: {  	_ =	swait.ge [sflag:s7], s5  }
0x1d: {  	s5 =	ssub.s32 $0x0, s5;
	[sflag:s7] =	ssyncset.done $0x0  }
0x1e: {  	[sflag:s7] =	ssyncadd.s32 s5;
	_ =	sdelay $0x1  }
0x1f: {  	s24 =	simm.s32 $0x1B8B  }
0x20: {  	_ =	swait.ge [sflag:s24], $0x1  }
0x21: {  	[sflag:s24] =	ssyncset.done $0x0  }
0x22: {  	[sflag:s24] =	ssyncadd.s32 $0xFFFFFFFF  }
0x23: {  	s5 =	sld [smem:$0x0]  }
0x24: {  	s6 =	sand.u32 $0xFFFFFFFE, s1  }
0x25: {  	p0 =	sne.s32 s1, s6  }
0x26: {  	s6 =	sshll.u32 @p0 s6, $0xE  }
0x27: {  	s6 =	sadd.s32 @p0 $0x11B8D, s6;
	s7 =	sshll.u32 @p0 s5, $0x11  }
0x28: {  	s6 =	sor.u32 @p0 s7, s6  }
0x29: {  	[sflag:s6] =	ssyncadd.remote.s32 @p0 $0x1;
	_ =	sdelay $0x1  }
0x2a: {  	s6 =	simm.s32 @p0 $0x1B8D  }
0x2b: {  	_ =	swait.eq @p0 [sflag:s6], $0x1  }
0x2c: {  	[sflag:s6] =	ssyncadd.s32 @p0 $0xFFFFFFFF  }
0x2d: {  	s7 =	sshll.u32 @!p0 s1, $0xE  }
0x2e: {  	s7 =	sor.u32 @!p0 $0x4000, s7;
	s6 =	simm.s32 @!p0 $0x1B8D  }
0x2f: {  	s5 =	sshll.u32 @!p0 s5, $0x11;
	s7 =	sadd.s32 @!p0 $0x11B8D, s7;
	_ =	swait.eq @!p0 [sflag:s6], $0x1  }
0x30: {  	s5 =	sor.u32 @!p0 s5, s7;
	[sflag:s6] =	ssyncadd.s32 @!p0 $0xFFFFFFFF  }
0x31: {  	s26 =	simm.s32 $0x1B8E;
	s25 =	sld [smem:$0x3FFE];
	[sflag:s5] =	ssyncadd.remote.s32 @!p0 $0x1  }
0x32: {  	s27 =	simm.s32 $execute0_lowered;
	[smem:$0x3FD2] =	sst s26  }
0x33: {  	s6 =	sshll.u32 s27, $0x1;
	_ =	strace $0x80000049;
	[dreg:$0x1] =	wrdreg $0xFFFFFFFF  }
0x34: {  	s28 =	simm.s32 $_size_execute0_lowered;
	s4 =	sadd.s32 s4, s6;
	[dreg:$0x0] =	wrdreg $0x0  }
0x35: {  	s6 =	sshll.u32 s28, $0x1;
	[dreg:$0x2] =	wrdreg s4  }
0x36: {  	[dreg:$0x3] =	wrdreg s6  }
0x37: {  	[dreg:$0x4] =	wrdreg $0xC0  }
0x38: {  	_ =	task [dreg:s23], $0x5FFFF  }
0x39: {  	[dreg:$0x1] =	wrdreg $0xFFFFFFFF  }
0x3a: {  	[dreg:$0x0] =	wrdreg $0x60  }
0x3b: {  	[dreg:$0x2] =	wrdreg s25  }
0x3c: {  	[dreg:$0x3] =	wrdreg s18  }
0x3d: {  	[dreg:$0x4] =	wrdreg $0xA  }
0x3e: {  	_ =	task.clear_ibuf [dreg:s23], $0x5FFFF;
	_ =	strace $0x90000049  }
0x3f: {  	s29 =	simm.s32 $0xA;
	_ =	strace $0x8000004B  }
0x40: {  	_ =	swait.ge [sflag:s29], $0x1  }
0x41: {  	[sflag:s29] =	ssyncadd.s32 $0xFFFFFFFF  }
0x42: {  	_ =	strace $0x9000004B  }
0x43: {  	_ =	sfence  }
0x44: {  	s30 =	sld [smem:$0x0];
	_ =	sdelay $0x2  }
0x45: {  	s31 =	sshll.u32 s1, $0xD;
	s1 =	sshrl.u32 s1, $0x2  }
0x46: {  	s4 =	sand.u32 $0x4000, s31;
	s1 =	sadd.s32 s1, s30  }
0x47: {  	s0 =	sor.u32 s4, s0;
	s1 =	sshll.u32 s1, $0x11  }
0x48: {  	s0 =	sor.u32 s1, s0  }
0x49: {  	s0 =	sadd.s32 $0x8F2B, s0  }
0x4a: {  	[sflag:s0] =	ssyncadd.remote.s32 $0x1  }
0x4b: {  	_ =	sfence.sel $0xFFFF  }
0x4c: {  	[dreg:$0x0] =	wrdreg $0xFFFFFFFF;
	(pc) =	sbr.abs _section_cstart, $3  }
0x4d: {  	[dreg:$0x1] =	wrdreg $0xFFFFFFFF  }
0x4e: {  	_ =	task.clear_ibuf [dreg:s23], $0x2FFFF;
	_ =	strace $0x9FFFFFFF  }
0x4f: {  	(tm) =	ssettm $0x7FFFFFFF  }
tec
execute0_lowered:
.L_overlay_start_1:
0x0: {  	(tag) =	ssettag $0x1  }
0x1: {  	s1 =	rddreg [dreg:$0x0]  }
0x2: {  	s2 =	rddreg [dreg:$0x1]  }
0x3: {  	s0 =	rddreg [dreg:$0x2];
	_ =	strace $0x8000004A;
	s4 =	srdreg.scid  }
0x4: {  	s6 =	simm.s32 $0x2;
	s13 =	simm.s32 $0x0;
	p0 =	por $0x0, $0x0  }
0x5: {  	s12 =	simm.s32 $0x0;
	s15 =	simm.s32 $0x0;
	s14 =	simm.s32 $0x0  }
.Ltmp0:
0x6: {  	s8 =	simm.s32 $0x0;
	s9 =	simm.s32 $0x0;
	(pc) =	sbr.rel .LBB1_1-.Ltmp0, $4  }
0x7: {  	s10 =	simm.s32 $0x0;
	s3 =	sadd.s32 $0x181000, s1;
	s5 =	sshll.u32 s4, $0x4  }
0x8: {  	s1 =	stileid.u32;
	s4 =	simm.s32 $0x1;
	s5 =	sand.u32 $0x10, s5  }
0x9: {  	s7 =	simm.s32 $0x0;
	[sflag:s4] =	ssyncpa.u1 $0x0;
	s5 =	sor.u32 s1, s5  }
0xa: {  	[sflag:s6] =	ssyncpa.u1 $0x0;
	s6 =	simm.s32 $0x1800;
	s11 =	smov.u32 s5  }
.LBB1_7:
0xb: {  	s16 =	sadd.s32 $0x100, s8  }
0xc: {  	s12 =	sadd.s32 $0x8, s9;
	s17 =	smov.u32 s9;
	p2 =	sgt.s32 s16, $0x2FF  }
0xd: {  	s17 =	smov.u32 @p2 s12  }
0xe: {  	s18 =	smov.u32 s10;
	s12 =	sadd.s32 $0x8, s10;
	p3 =	sgt.s32 s17, $0x7  }
0xf: {  	s18 =	smov.u32 @p3 s12  }
0x10: {  	s19 =	smov.u32 s11;
	s12 =	sadd.s32 $0x20, s11;
	p4 =	sgt.s32 s18, $0x7  }
0x11: {  	p1 =	slt.u32 s7, $0x2;
	s19 =	smov.u32 @p4 s12  }
0x12: {  	s7 =	sadd.s32 $0x1, s7;
	s16 =	simm.s32 @p2 $0x0;
	p2 =	sgt.s32 s19, $0xFF  }
0x13: {  	s13 =	smov.u32 s8;
	s19 =	smov.u32 @p2 s5;
	p2 =	sne.s32 s7, $0x1A  }
.Ltmp1:
0x14: {  	s15 =	smov.u32 s10;
	s20 =	simm.s32 @!p1 $0x2;
	(pc) =	sbr.rel @!p2 .LBB1_8-.Ltmp1, $4  }
0x15: {  	s14 =	smov.u32 s11;
	p0 =	por !p0, !p0;
	_ =	swait.ge @!p1 [sflag:s20], $0x4000  }
0x16: {  	[sflag:s20] =	ssyncset.done @!p1 $0x0;
	s8 =	smov.u32 s16;
	s17 =	simm.s32 @p3 $0x0  }
0x17: {  	[sflag:s20] =	ssyncadd.s32 @!p1 $0xFFFFC000;
	s18 =	simm.s32 @p4 $0x0;
	s12 =	smov.u32 s9  }
0x18: {  	s9 =	smov.u32 s17;
	s10 =	smov.u32 s18;
	s11 =	smov.u32 s19  }
.LBB1_1:
0x19: {  	p1 =	sgt.u32 s7, $0x17  }
0x1a: {  	s16 =	sshrl.u32 @!p1 s9, $0x3  }
0x1b: {  	s17 =	sshll.u32 @!p1 s8, $0x3;
	s16 =	smul.u32 @!p1 $0x1800, s16  }
0x1c: {  	s18 =	sshll.u32 @!p1 s9, $0x7;
	s17 =	sand.u32 @!p1 $0xFFFFFC00, s17  }
0x1d: {  	s16 =	sadd.s32 @!p1 s16, s17;
	s17 =	sand.u32 @!p1 $0x380, s18  }
0x1e: {  	s18 =	sand.u32 @!p1 $0x7F, s8;
	s16 =	sor.u32 @!p1 s17, s16  }
0x1f: {  	s17 =	sor.u32 @!p1 s18, s16  }
0x20: {  	s18 =	smulhi.u32 @!p1 $0xAAAAAAAB, s17  }
0x21: {  	s16 =	smulhi.u32 @!p1 $0xAAAAAAAB, s16  }
0x22: {  	s20 =	smul.u32 @!p1 $0x1800, s11;
	s18 =	sshrl.u32 @!p1 s18, $0x9  }
0x23: {  	s19 =	sxor.u32 @!p1 $0xFFFFFFFF, s7;
	s16 =	sshrl.u32 @!p1 s16, $0x9;
	s18 =	smul.u32 @!p1 $0x300, s18  }
0x24: {  	s21 =	smul.u32 @!p1 $0x300, s10;
	s19 =	sshll.u32 @!p1 s19, $0xE;
	s16 =	sand.u32 @!p1 $0x7, s16  }
0x25: {  	s16 =	smul.u32 @!p1 $0x60, s16;
	s17 =	ssub.s32 @!p1 s17, s18;
	s18 =	sadd.s32 @!p1 s3, s20  }
0x26: {  	s19 =	sand.u32 @!p1 $0x4000, s19;
	s18 =	sadd.s32 @!p1 s21, s18;
	s20 =	sand.u32 @!p1 $0x7, s17  }
0x27: {  	s17 =	sshrl.u32 @!p1 s17, $0x3;
	s16 =	sadd.s32 @!p1 s16, s18;
	s18 =	sshll.u32 @!p1 s20, $0x12  }
0x28: {  	s16 =	sadd.s32 @!p1 s17, s16;
	s17 =	sor.u32 @!p1 $0x800, s18;
	s18 =	simm.s32 @!p1 $0x1800  }
0x29: {  	[tilespmem:s19], [sflag:$0x1] =	stream.strided.gather @!p1 [hbm4b:s16+s17], $0x4000, s18, s17, $0x38;
	[tilespmem:$0x10000] =	vst v63  }
0x2a: {  	p1 =	seq.s32 s7, $0x0  }
0x2b: {  	p2 =	seq.s32 @!p1 s7, $0x19  }
0x2c: {  	p1 =	por p1, p2  }
.Ltmp2:
0x2d: {  	_ = 	snop;
	(pc) =	sbr.rel @p1 .LBB1_7-.Ltmp2, $1  }
0x2e: {  	_ =	sdelay $0x3  }
0x2f: {  	s16 =	simm.s32 $0x1;
	_ =	swait.ge [sflag:s4], $0x4000  }
0x30: {  	s31 =	sshll.u32 s7, $0xE;
	s21 =	simm.s32 $0x0;
	p1 =	por $0x0, $0x0  }
0x31: {  	s22 =	simm.s32 $0x0;
	s23 =	simm.s32 $0x0;
	s16 =	simm.s32 @!p0 $0x0  }
0x32: {  	[sflag:s4] =	ssyncset.done $0x0;
	s19 =	sand.u32 $0x4000, s31;
	s16 =	sshll.u32 s16, $0x10  }
0x33: {  	[sflag:s4] =	ssyncadd.s32 $0xFFFFC000;
	s20 =	sshrl.u32 s16, $0x2;
	s16 =	sor.u32 $0x8000, s19  }
0x34: {  	s17 =	sor.u32 $0x40, s20;
	s18 =	sor.u32 $0x8410, s20;
	s20 =	sadd.s32 $0x8400, s20  }
.LBB1_3:
0x35: {  	v1 =	vld [tilespmem:s17+$0xFFFFFFD0]  }
0x36: {  	v2 =	vld [tilespmem:s17+$0x430]  }
0x37: {  	s24 =	sshll.u32 s23, $0xB;
	v4 =	vld [tilespmem:s17+$0xFFFFFFE0]  }
0x38: {  	v7 =	vld [tilespmem:s17+$0xFFFFFFF0];
	v0 =	vmov s24  }
0x39: {  	v8 =	vld [tilespmem:s17+$0x0]  }
0x3a: {  	s30 =	sand.u32 $0x300, s21;
	v9 =	vld [tilespmem:s17+$0x10]  }
0x3b: {  	s25 =	sand.u32 $0x80, s21;
	v10 =	vld [tilespmem:s17+$0x20];
	s24 =	sadd.s32 s30, s19  }
0x3c: {  	v11 =	vld [tilespmem:s17+$0x30];
	s24 =	sadd.s32 s25, s24;
	s25 =	simm.s32 $0x1;
	[tilespmem:s18+$0x60] =	vst v2  }
0x3d: {  	s31 =	sshll.u32 s22, $0x2;
	s25 =	simm.s32 @!p1 $0x0;
	[tilespmem:s18+$0xFFFFFC00] =	vst v1;
	v3 =	vld.idx.msk [tilespmem:v0+s24+$0x400 ss:$0x1], $0xffff  }
0x3e: {  	v6 =	vld [tilespmem:s17+$0x3D0];
	s25 =	sshll.u32 s25, $0x9;
	[tilespmem:s18+$0xFFFFFC10] =	vst v4;
	s24 =	sand.u32 $0xFFFFFC00, s31  }
0x3f: {  	v5 =	vld [tilespmem:s17+$0x3E0];
	[tilespmem:s18+$0xFFFFFC20] =	vst v7;
	s24 =	sor.u32 s25, s24  }
0x40: {  	[tilespmem:s18+$0xFFFFFC30] =	vst v8;
	v4 =	vld [tilespmem:s17+$0x400];
	s24 =	sshrl.u32 s24, $0x2  }
0x41: {  	[tilespmem:s18+$0xFFFFFC40] =	vst v9;
	v1 =	vld [tilespmem:s17+$0x410];
	s24 =	sadd.s32 s24, s20  }
0x42: {  	[tilespmem:s24+$0x0] =	vst v3;
	v3 =	vld [tilespmem:s17+$0x3F0]  }
0x43: {  	s28 =	simm.s32 $0x80;
	s27 =	simm.s32 $0x100;
	[tilespmem:s18+$0xFFFFFC50] =	vst v10;
	v2 =	vld [tilespmem:s17+$0x420]  }
0x44: {  	s26 =	smov.u32 s18;
	s29 =	sand.u32 $0x300, s28;
	v7 =	vld [tilespmem:s17+$0xFFFFFFC0];
	[tilespmem:s18+$0xFFFFFC60] =	vst v11;
	s25 =	sadd.s32 $0x80, s17  }
.LBB1_4:
0x45: {  	p2 =	sne.s32 s27, $0x380;
	v8 =	vld [tilespmem:s25+$0xFFFFFFD0];
	s28 =	sand.u32 $0x80, s28;
	s29 =	sadd.s32 s29, s19;
	[tilespmem:s26+$0x0] =	vst v6  }
0x46: {  	s29 =	sadd.s32 s28, s29;
	v6 =	vld [tilespmem:s25+$0x430];
	[tilespmem:s26+$0x10] =	vst v5;
	s28 =	smov.u32 s27  }
0x47: {  	v5 =	vld.idx.msk [tilespmem:v0+s29+$0x400 ss:$0x1], $0xffff;
	[tilespmem:s26+$0x20] =	vst v3  }
0x48: {  	v3 =	vld [tilespmem:s25+$0xFFFFFFE0];
	[tilespmem:s26+$0x30] =	vst v4  }
0x49: {  	v4 =	vld [tilespmem:s25+$0xFFFFFFF0];
	[tilespmem:s26+$0xFFFFFBF0] =	vst v7  }
0x4a: {  	v7 =	vld [tilespmem:s25+$0x0];
	[tilespmem:s26+$0x40] =	vst v1  }
0x4b: {  	v1 =	vld [tilespmem:s25+$0x10];
	[tilespmem:s26+$0x50] =	vst v2;
	s26 =	sadd.s32 $0x800, s26  }
0x4c: {  	s24 =	sadd.s32 $0x800, s24;
	v2 =	vld [tilespmem:s25+$0x20];
	[tilespmem:s26+$0x60] =	vst v6  }
0x4d: {  	v9 =	vld [tilespmem:s25+$0x30];
	[tilespmem:s24+$0x0] =	vst v5  }
0x4e: {  	[tilespmem:s26+$0xFFFFFC00] =	vst v8;
	v6 =	vld [tilespmem:s25+$0x3D0]  }
0x4f: {  	[tilespmem:s26+$0xFFFFFC10] =	vst v3;
	v5 =	vld [tilespmem:s25+$0x3E0]  }
.Ltmp3:
0x50: {  	[tilespmem:s26+$0xFFFFFC20] =	vst v4;
	v3 =	vld [tilespmem:s25+$0x3F0];
	(pc) =	sbr.rel @p2 .LBB1_4-.Ltmp3, $4  }
0x51: {  	[tilespmem:s26+$0xFFFFFC30] =	vst v7;
	v4 =	vld [tilespmem:s25+$0x400]  }
0x52: {  	[tilespmem:s26+$0xFFFFFC40] =	vst v1;
	v1 =	vld [tilespmem:s25+$0x410]  }
0x53: {  	[tilespmem:s26+$0xFFFFFC50] =	vst v2;
	v2 =	vld [tilespmem:s25+$0x420]  }
0x54: {  	s27 =	sadd.s32 $0x80, s27;
	s29 =	sand.u32 $0x300, s28;
	v7 =	vld [tilespmem:s25+$0xFFFFFFC0];
	[tilespmem:s26+$0xFFFFFC60] =	vst v9;
	s25 =	sadd.s32 $0x80, s25  }
0x55: {  	[tilespmem:s26+$0x0] =	vst v6  }
0x56: {  	[tilespmem:s26+$0x10] =	vst v5  }
0x57: {  	v49 =	vld [tilespmem:s25+$0x430];
	[tilespmem:s26+$0x20] =	vst v3  }
0x58: {  	v50 =	vld [tilespmem:s25+$0xFFFFFFD0];
	[tilespmem:s26+$0x30] =	vst v4  }
0x59: {  	v51 =	vld [tilespmem:s25+$0xFFFFFFE0];
	[tilespmem:s26+$0x40] =	vst v1  }
0x5a: {  	v52 =	vld [tilespmem:s25+$0xFFFFFFF0];
	[tilespmem:s26+$0x50] =	vst v2  }
0x5b: {  	s31 =	sadd.s32 $0x800, s26;
	v53 =	vld [tilespmem:s25+$0x0];
	[tilespmem:s26+$0xFFFFFBF0] =	vst v7  }
0x5c: {  	v54 =	vld [tilespmem:s25+$0x10];
	[tilespmem:s31+$0x60] =	vst v49  }
0x5d: {  	v55 =	vld [tilespmem:s25+$0x20];
	[tilespmem:s31+$0xFFFFFC00] =	vst v50  }
0x5e: {  	v56 =	vld [tilespmem:s25+$0x30];
	[tilespmem:s31+$0xFFFFFC10] =	vst v51  }
0x5f: {  	v57 =	vld [tilespmem:s25+$0x3D0];
	[tilespmem:s31+$0xFFFFFC20] =	vst v52  }
0x60: {  	v58 =	vld [tilespmem:s25+$0x3E0];
	[tilespmem:s31+$0xFFFFFC30] =	vst v53  }
0x61: {  	v59 =	vld [tilespmem:s25+$0x3F0];
	[tilespmem:s31+$0xFFFFFC40] =	vst v54  }
0x62: {  	v60 =	vld [tilespmem:s25+$0x400];
	[tilespmem:s31+$0xFFFFFC50] =	vst v55  }
0x63: {  	v61 =	vld [tilespmem:s25+$0xFFFFFFC0];
	[tilespmem:s31+$0xFFFFFC60] =	vst v56  }
0x64: {  	s27 =	sand.u32 $0x80, s28;
	s30 =	sadd.s32 s29, s19;
	v62 =	vld [tilespmem:s25+$0x410];
	[tilespmem:s31+$0x0] =	vst v57  }
0x65: {  	v63 =	vld [tilespmem:s25+$0x420];
	s23 =	sadd.s32 $0x1, s23;
	s27 =	sadd.s32 s27, s30;
	[tilespmem:s31+$0x10] =	vst v58  }
0x66: {  	p2 =	sne.s32 s23, $0x8;
	v0 =	vld.idx.msk [tilespmem:v0+s27+$0x400 ss:$0x1], $0xffff;
	[tilespmem:s31+$0x20] =	vst v59  }
.Ltmp4:
0x67: {  	[tilespmem:s31+$0x30] =	vst v60;
	(pc) =	sbr.rel @p2 .LBB1_3-.Ltmp4, $4  }
0x68: {  	[tilespmem:s31+$0xFFFFFBF0] =	vst v61  }
0x69: {  	[tilespmem:s31+$0x40] =	vst v62  }
0x6a: {  	s24 =	sadd.s32 $0x800, s24;
	s17 =	sadd.s32 $0x800, s17;
	[tilespmem:s31+$0x50] =	vst v63  }
0x6b: {  	s22 =	sadd.s32 $0x80, s22;
	p1 =	por !p1, !p1;
	s18 =	sadd.s32 $0x80, s18;
	[tilespmem:s24+$0x0] =	vst v0  }
0x6c: {  	s17 =	sshrl.u32 s15, $0x3  }
0x6d: {  	s18 =	sshll.u32 s13, $0x3;
	s17 =	smul.u32 $0x1800, s17  }
0x6e: {  	s27 =	sshll.u32 s15, $0x7;
	s18 =	sand.u32 $0xFFFFFC00, s18  }
0x6f: {  	s15 =	sand.u32 $0x380, s27;
	s17 =	sadd.s32 s17, s18  }
0x70: {  	s28 =	sand.u32 $0x7F, s13;
	s15 =	sor.u32 s15, s17  }
0x71: {  	s13 =	sor.u32 s28, s15;
	s15 =	smulhi.u32 $0xAAAAAAAB, s15  }
0x72: {  	s29 =	smulhi.u32 $0xAAAAAAAB, s13  }
0x73: {  	s14 =	smul.u32 $0x1800, s14  }
0x74: {  	s12 =	smul.u32 $0x300, s12;
	s15 =	sshrl.u32 s15, $0x9;
	s17 =	sshrl.u32 s29, $0x9  }
0x75: {  	s15 =	sand.u32 $0x7, s15;
	s17 =	smul.u32 $0x300, s17  }
0x76: {  	s15 =	smul.u32 $0x60, s15  }
.Ltmp5:
0x77: {  	s14 =	sadd.s32 s2, s14;
	s13 =	ssub.s32 s13, s17;
	(pc) =	sbr.rel .LBB1_7-.Ltmp5, $4  }
0x78: {  	s12 =	sadd.s32 s12, s14;
	s30 =	sand.u32 $0x7, s13  }
0x79: {  	s12 =	sadd.s32 s15, s12;
	s13 =	sshrl.u32 s13, $0x3;
	s14 =	sshll.u32 s30, $0x12  }
0x7a: {  	s12 =	sadd.s32 s13, s12;
	s31 =	sor.u32 $0x800, s14  }
0x7b: {  	[hbm4b:s12+s31] =	stream.strided.scatter [tilespmem:s16], [sflag:$0x2], $0x4000, s6, s31, $0x38;
	[tilespmem:$0x10000] =	vst v63  }
.LBB1_8:
0x7c: {  	_ =	sfence.sel $0x180000  }
0x7d: {  	s2 =	simm.s32 $0x1;
	[bflag:$0x0] =	sbarrier.arrive $0xFFFF  }
0x7e: {  	s31 =	simm.s32 $0x2;
	[sflag:s2] =	ssyncpa.u1 $0x1  }
0x7f: {  	[sflag:s31] =	ssyncpa.u1 $0x1  }
0x80: {  	p0 =	sne.s32 s1, $0x0;
	_ =	strace $0x9000004A  }
0x81: {  	s0 =	sadd.s32 @!p0 $0x100000, s0;
	[bflag:$0x2] =	sbarrier.arrive $0xFFFF  }
0x82: {  	[sflag:s0] =	ssyncadd.tile.s32 @!p0 $0x1;
	_ =	shalt  }
.Lfunc_end1:
_tile_overlayer_lowered:
.L_overlay_start_2:
0x83: {  	(tag) =	ssettag $0x2  }
0x84: {  	s0 =	rddreg [dreg:$0x0];
	s2 =	stileid.u32  }
0x85: {  	s1 =	rddreg [dreg:$0x1];
	p0 =	sne.s32 s2, $0x0  }
0x86: {  	s3 =	rddreg [dreg:$0x2];
	[bflag:$0x3] =	sbarrier.arrive $0xFFFF;
	s2 =	simm.s32 @!p0 $0x1C01  }
0x87: {  	[timem:s3], [sflag:s2] =	dma.local @!p0 [hbm:s0], s1  }
0x88: {  	s0 =	simm.s32 @!p0 $0x1  }
0x89: {  	_ =	swait.ge @!p0 [sflag:s0], s1  }
0x8a: {  	s1 =	ssub.s32 @!p0 $0x0, s1;
	[sflag:s0] =	ssyncset.done @!p0 $0x0  }
0x8b: {  	[sflag:s0] =	ssyncadd.s32 @!p0 s1  }
0x8c: {  	[bflag:$0x3] =	sbarrier.arrive $0xFFFF  }
0x8d: {  	_ =	shalt  }

// kernel: sparse-core-data-format-call.cloned.1.call-start
scs
called_computation_lowered:
.L_overlay_start_0:
0x0: {  	s2 =	sld [smem:$0x3FD9]  }
0x1: {  	s3 =	sld [smem:$0x3FFE];
	_ =	sdelay $0x1  }
0x2: {  	s1 =	srdreg.scid  }
0x3: {  	s0 =	sand.u32 $0x1, s1  }
0x4: {  	s15 =	sshll.u32 s0, $0xA;
	s2 =	sadd.s32 s3, s2  }
0x5: {  	s2 =	sadd.s32 s2, s15  }
0x6: {  	[smem:$0x3FC3] =	sst s2  }
0x7: {  	_ = 	snop  }
0x8: {  	s2 =	sld [smem:$0x3FD0];
	_ =	sdelay $0x2  }
0x9: {  	s16 =	simm.s32 $0xB;
	s4 =	simm.s32 $0x10  }
0xa: {  	[smem:s4], [sflag:s16] =	dma.local [hbm:s2], $0x1  }
0xb: {  	_ =	swait.eq [sflag:s16], $0x1  }
0xc: {  	[sflag:s16] =	ssyncset.done $0x0  }
0xd: {  	[sflag:s16] =	ssyncadd.s32 $0xFFFFFFFF  }
0xe: {  	s17 =	sld [smem:$0x11];
	(tm) =	ssettm $0x1  }
0xf: {  	s18 =	sld [smem:$0x3FFB];
	_ =	sdelay $0x3  }
0x10: {  	_ =	strace s18  }
0x11: {  	s3 =	sld [smem:$0x3FFC];
	_ =	sdelay $0x3  }
0x12: {  	_ =	strace s3  }
0x13: {  	s3 =	sld [smem:$0x3FFD];
	_ =	sdelay $0x3  }
0x14: {  	_ =	strace s3  }
0x15: {  	_ =	strace $0x8FFFFFFF  }
0x16: {  	s19 =	sld [smem:$0x3FDB];
	_ =	sdelay $0x1  }
0x17: {  	s20 =	simm.s32 $_scs_section_size  }
0x18: {  	s5 =	simm.s32 $_size__tile_overlayer_lowered;
	s6 =	simm.s32 $_tile_overlayer_lowered  }
0x19: {  	s23 =	simm.s32 $0x1BFF;
	s22 =	sshll.u32 s6, $0x1;
	s3 =	sadd.s32 s20, s19  }
0x1a: {  	s7 =	simm.s32 $0x0;
	s21 =	sshll.u32 s5, $0x1;
	s5 =	sadd.s32 s22, s3  }
0x1b: {  	[timem:s7], [sflag:s23] =	dma.local [hbm:s5], s21  }
0x1c: {  	_ =	swait.ge [sflag:s23], s21  }
0x1d: {  	s4 =	ssub.s32 $0x0, s21;
	[sflag:s23] =	ssyncset.done $0x0  }
0x1e: {  	[sflag:s23] =	ssyncadd.s32 s4;
	_ =	sdelay $0x1  }
0x1f: {  	s24 =	simm.s32 $0x1B8B  }
0x20: {  	_ =	swait.ge [sflag:s24], $0x1  }
0x21: {  	[sflag:s24] =	ssyncset.done $0x0  }
0x22: {  	s26 =	simm.s32 $0x1B8E;
	s25 =	sld [smem:$0x3FFE];
	[sflag:s24] =	ssyncadd.s32 $0xFFFFFFFF  }
0x23: {  	s27 =	simm.s32 $execute0_lowered;
	[smem:$0x3FD2] =	sst s26  }
0x24: {  	s5 =	sshll.u32 s27, $0x1;
	_ =	strace $0x80000046;
	[dreg:$0x1] =	wrdreg $0xFFFFFFFF  }
0x25: {  	s28 =	simm.s32 $_size_execute0_lowered;
	s3 =	sadd.s32 s3, s5;
	[dreg:$0x0] =	wrdreg $0x0  }
0x26: {  	s5 =	sshll.u32 s28, $0x1;
	[dreg:$0x2] =	wrdreg s3  }
0x27: {  	[dreg:$0x3] =	wrdreg s5  }
0x28: {  	[dreg:$0x4] =	wrdreg $0xC0  }
0x29: {  	_ =	task [dreg:s7], $0x5FFFF  }
0x2a: {  	[dreg:$0x1] =	wrdreg $0xFFFFFFFF  }
0x2b: {  	[dreg:$0x0] =	wrdreg $0x60  }
0x2c: {  	[dreg:$0x2] =	wrdreg s25  }
0x2d: {  	[dreg:$0x3] =	wrdreg s17  }
0x2e: {  	[dreg:$0x4] =	wrdreg $0x9  }
0x2f: {  	_ =	task.clear_ibuf [dreg:s7], $0x5FFFF;
	_ =	strace $0x90000046  }
0x30: {  	s29 =	simm.s32 $0x9;
	_ =	strace $0x80000048  }
0x31: {  	_ =	swait.ge [sflag:s29], $0x1  }
0x32: {  	[sflag:s29] =	ssyncadd.s32 $0xFFFFFFFF  }
0x33: {  	_ =	strace $0x90000048  }
0x34: {  	_ =	sfence  }
0x35: {  	s30 =	sld [smem:$0x0];
	_ =	sdelay $0x2  }
0x36: {  	s31 =	sshll.u32 s1, $0xD;
	s1 =	sshrl.u32 s1, $0x2  }
0x37: {  	s3 =	sand.u32 $0x4000, s31;
	s1 =	sadd.s32 s1, s30  }
0x38: {  	s0 =	sor.u32 s3, s0;
	s1 =	sshll.u32 s1, $0x11  }
0x39: {  	s0 =	sor.u32 s1, s0  }
0x3a: {  	s0 =	sadd.s32 $0x8F2B, s0  }
0x3b: {  	[sflag:s0] =	ssyncadd.remote.s32 $0x1  }
0x3c: {  	_ =	sfence.sel $0xFFFF  }
0x3d: {  	[dreg:$0x0] =	wrdreg $0xFFFFFFFF;
	(pc) =	sbr.abs _section_cstart, $3  }
0x3e: {  	[dreg:$0x1] =	wrdreg $0xFFFFFFFF  }
0x3f: {  	_ =	task.clear_ibuf [dreg:s7], $0x2FFFF;
	_ =	strace $0x9FFFFFFF  }
0x40: {  	(tm) =	ssettm $0x7FFFFFFF  }
0x41: {  	_ =	shalt  }
tec
execute0_lowered:
.L_overlay_start_1:
0x0: {  	(tag) =	ssettag $0x1  }
0x1: {  	s1 =	rddreg [dreg:$0x0]  }
0x2: {  	s2 =	rddreg [dreg:$0x1]  }
0x3: {  	s0 =	rddreg [dreg:$0x2];
	_ =	strace $0x80000047;
	s4 =	srdreg.scid  }
0x4: {  	s6 =	simm.s32 $0x2;
	s13 =	simm.s32 $0x0;
	p0 =	por $0x0, $0x0  }
0x5: {  	s12 =	simm.s32 $0x0;
	s15 =	simm.s32 $0x0;
	s14 =	simm.s32 $0x0  }
.Ltmp0:
0x6: {  	s8 =	simm.s32 $0x0;
	s9 =	simm.s32 $0x0;
	(pc) =	sbr.rel .LBB1_1-.Ltmp0, $4  }
0x7: {  	s10 =	simm.s32 $0x0;
	s3 =	sadd.s32 $0x1000, s1;
	s5 =	sshll.u32 s4, $0x4  }
0x8: {  	s1 =	stileid.u32;
	s4 =	simm.s32 $0x1;
	s5 =	sand.u32 $0x10, s5  }
0x9: {  	s7 =	simm.s32 $0x0;
	[sflag:s4] =	ssyncpa.u1 $0x0;
	s5 =	sor.u32 s1, s5  }
0xa: {  	[sflag:s6] =	ssyncpa.u1 $0x0;
	s6 =	simm.s32 $0x1800;
	s11 =	smov.u32 s5  }
.LBB1_7:
0xb: {  	s16 =	sadd.s32 $0x100, s8  }
0xc: {  	s12 =	sadd.s32 $0x8, s9;
	s17 =	smov.u32 s9;
	p2 =	sgt.s32 s16, $0x2FF  }
0xd: {  	s17 =	smov.u32 @p2 s12  }
0xe: {  	s18 =	smov.u32 s10;
	s12 =	sadd.s32 $0x8, s10;
	p3 =	sgt.s32 s17, $0x7  }
0xf: {  	s18 =	smov.u32 @p3 s12  }
0x10: {  	s19 =	smov.u32 s11;
	s12 =	sadd.s32 $0x20, s11;
	p4 =	sgt.s32 s18, $0x7  }
0x11: {  	p1 =	slt.u32 s7, $0x2;
	s19 =	smov.u32 @p4 s12  }
0x12: {  	s7 =	sadd.s32 $0x1, s7;
	s16 =	simm.s32 @p2 $0x0;
	p2 =	sgt.s32 s19, $0xFF  }
0x13: {  	s13 =	smov.u32 s8;
	s19 =	smov.u32 @p2 s5;
	p2 =	sne.s32 s7, $0x1A  }
.Ltmp1:
0x14: {  	s15 =	smov.u32 s10;
	s20 =	simm.s32 @!p1 $0x2;
	(pc) =	sbr.rel @!p2 .LBB1_8-.Ltmp1, $4  }
0x15: {  	s14 =	smov.u32 s11;
	p0 =	por !p0, !p0;
	_ =	swait.ge @!p1 [sflag:s20], $0x4000  }
0x16: {  	[sflag:s20] =	ssyncset.done @!p1 $0x0;
	s8 =	smov.u32 s16;
	s17 =	simm.s32 @p3 $0x0  }
0x17: {  	[sflag:s20] =	ssyncadd.s32 @!p1 $0xFFFFC000;
	s18 =	simm.s32 @p4 $0x0;
	s12 =	smov.u32 s9  }
0x18: {  	s9 =	smov.u32 s17;
	s10 =	smov.u32 s18;
	s11 =	smov.u32 s19  }
.LBB1_1:
0x19: {  	p1 =	sgt.u32 s7, $0x17  }
0x1a: {  	s16 =	sshrl.u32 @!p1 s9, $0x3  }
0x1b: {  	s17 =	sshll.u32 @!p1 s8, $0x3;
	s16 =	smul.u32 @!p1 $0x1800, s16  }
0x1c: {  	s18 =	sshll.u32 @!p1 s9, $0x7;
	s17 =	sand.u32 @!p1 $0xFFFFFC00, s17  }
0x1d: {  	s16 =	sadd.s32 @!p1 s16, s17;
	s17 =	sand.u32 @!p1 $0x380, s18  }
0x1e: {  	s18 =	sand.u32 @!p1 $0x7F, s8;
	s16 =	sor.u32 @!p1 s17, s16  }
0x1f: {  	s17 =	sor.u32 @!p1 s18, s16  }
0x20: {  	s18 =	smulhi.u32 @!p1 $0xAAAAAAAB, s17  }
0x21: {  	s16 =	smulhi.u32 @!p1 $0xAAAAAAAB, s16  }
0x22: {  	s20 =	smul.u32 @!p1 $0x1800, s11;
	s18 =	sshrl.u32 @!p1 s18, $0x9  }
0x23: {  	s19 =	sxor.u32 @!p1 $0xFFFFFFFF, s7;
	s16 =	sshrl.u32 @!p1 s16, $0x9;
	s18 =	smul.u32 @!p1 $0x300, s18  }
0x24: {  	s21 =	smul.u32 @!p1 $0x300, s10;
	s19 =	sshll.u32 @!p1 s19, $0xE;
	s16 =	sand.u32 @!p1 $0x7, s16  }
0x25: {  	s16 =	smul.u32 @!p1 $0x60, s16;
	s17 =	ssub.s32 @!p1 s17, s18;
	s18 =	sadd.s32 @!p1 s3, s20  }
0x26: {  	s19 =	sand.u32 @!p1 $0x4000, s19;
	s18 =	sadd.s32 @!p1 s21, s18;
	s20 =	sand.u32 @!p1 $0x7, s17  }
0x27: {  	s17 =	sshrl.u32 @!p1 s17, $0x3;
	s16 =	sadd.s32 @!p1 s16, s18;
	s18 =	sshll.u32 @!p1 s20, $0x12  }
0x28: {  	s16 =	sadd.s32 @!p1 s17, s16;
	s17 =	sor.u32 @!p1 $0x800, s18;
	s18 =	simm.s32 @!p1 $0x1800  }
0x29: {  	[tilespmem:s19], [sflag:$0x1] =	stream.strided.gather @!p1 [hbm4b:s16+s17], $0x4000, s18, s17, $0x38;
	[tilespmem:$0x10000] =	vst v63  }
0x2a: {  	p1 =	seq.s32 s7, $0x0  }
0x2b: {  	p2 =	seq.s32 @!p1 s7, $0x19  }
0x2c: {  	p1 =	por p1, p2  }
.Ltmp2:
0x2d: {  	_ = 	snop;
	(pc) =	sbr.rel @p1 .LBB1_7-.Ltmp2, $1  }
0x2e: {  	_ =	sdelay $0x3  }
0x2f: {  	s16 =	simm.s32 $0x1;
	_ =	swait.ge [sflag:s4], $0x4000  }
0x30: {  	s31 =	sshll.u32 s7, $0xE;
	s21 =	simm.s32 $0x0;
	p1 =	por $0x0, $0x0  }
0x31: {  	s22 =	simm.s32 $0x0;
	s23 =	simm.s32 $0x0;
	s16 =	simm.s32 @!p0 $0x0  }
0x32: {  	[sflag:s4] =	ssyncset.done $0x0;
	s19 =	sand.u32 $0x4000, s31;
	s16 =	sshll.u32 s16, $0x10  }
0x33: {  	[sflag:s4] =	ssyncadd.s32 $0xFFFFC000;
	s20 =	sshrl.u32 s16, $0x2;
	s16 =	sor.u32 $0x8000, s19  }
0x34: {  	s17 =	sor.u32 $0x40, s20;
	s18 =	sor.u32 $0x8410, s20;
	s20 =	sadd.s32 $0x8400, s20  }
.LBB1_3:
0x35: {  	v1 =	vld [tilespmem:s17+$0xFFFFFFD0]  }
0x36: {  	v2 =	vld [tilespmem:s17+$0x430]  }
0x37: {  	s24 =	sshll.u32 s23, $0xB;
	v4 =	vld [tilespmem:s17+$0xFFFFFFE0]  }
0x38: {  	v7 =	vld [tilespmem:s17+$0xFFFFFFF0];
	v0 =	vmov s24  }
0x39: {  	v8 =	vld [tilespmem:s17+$0x0]  }
0x3a: {  	s30 =	sand.u32 $0x300, s21;
	v9 =	vld [tilespmem:s17+$0x10]  }
0x3b: {  	s25 =	sand.u32 $0x80, s21;
	v10 =	vld [tilespmem:s17+$0x20];
	s24 =	sadd.s32 s30, s19  }
0x3c: {  	v11 =	vld [tilespmem:s17+$0x30];
	s24 =	sadd.s32 s25, s24;
	s25 =	simm.s32 $0x1;
	[tilespmem:s18+$0x60] =	vst v2  }
0x3d: {  	s31 =	sshll.u32 s22, $0x2;
	s25 =	simm.s32 @!p1 $0x0;
	[tilespmem:s18+$0xFFFFFC00] =	vst v1;
	v3 =	vld.idx.msk [tilespmem:v0+s24+$0x400 ss:$0x1], $0xffff  }
0x3e: {  	v6 =	vld [tilespmem:s17+$0x3D0];
	s25 =	sshll.u32 s25, $0x9;
	[tilespmem:s18+$0xFFFFFC10] =	vst v4;
	s24 =	sand.u32 $0xFFFFFC00, s31  }
0x3f: {  	v5 =	vld [tilespmem:s17+$0x3E0];
	[tilespmem:s18+$0xFFFFFC20] =	vst v7;
	s24 =	sor.u32 s25, s24  }
0x40: {  	[tilespmem:s18+$0xFFFFFC30] =	vst v8;
	v4 =	vld [tilespmem:s17+$0x400];
	s24 =	sshrl.u32 s24, $0x2  }
0x41: {  	[tilespmem:s18+$0xFFFFFC40] =	vst v9;
	v1 =	vld [tilespmem:s17+$0x410];
	s24 =	sadd.s32 s24, s20  }
0x42: {  	[tilespmem:s24+$0x0] =	vst v3;
	v3 =	vld [tilespmem:s17+$0x3F0]  }
0x43: {  	s28 =	simm.s32 $0x80;
	s27 =	simm.s32 $0x100;
	[tilespmem:s18+$0xFFFFFC50] =	vst v10;
	v2 =	vld [tilespmem:s17+$0x420]  }
0x44: {  	s26 =	smov.u32 s18;
	s29 =	sand.u32 $0x300, s28;
	v7 =	vld [tilespmem:s17+$0xFFFFFFC0];
	[tilespmem:s18+$0xFFFFFC60] =	vst v11;
	s25 =	sadd.s32 $0x80, s17  }
.LBB1_4:
0x45: {  	p2 =	sne.s32 s27, $0x380;
	v8 =	vld [tilespmem:s25+$0xFFFFFFD0];
	s28 =	sand.u32 $0x80, s28;
	s29 =	sadd.s32 s29, s19;
	[tilespmem:s26+$0x0] =	vst v6  }
0x46: {  	s29 =	sadd.s32 s28, s29;
	v6 =	vld [tilespmem:s25+$0x430];
	[tilespmem:s26+$0x10] =	vst v5;
	s28 =	smov.u32 s27  }
0x47: {  	v5 =	vld.idx.msk [tilespmem:v0+s29+$0x400 ss:$0x1], $0xffff;
	[tilespmem:s26+$0x20] =	vst v3  }
0x48: {  	v3 =	vld [tilespmem:s25+$0xFFFFFFE0];
	[tilespmem:s26+$0x30] =	vst v4  }
0x49: {  	v4 =	vld [tilespmem:s25+$0xFFFFFFF0];
	[tilespmem:s26+$0xFFFFFBF0] =	vst v7  }
0x4a: {  	v7 =	vld [tilespmem:s25+$0x0];
	[tilespmem:s26+$0x40] =	vst v1  }
0x4b: {  	v1 =	vld [tilespmem:s25+$0x10];
	[tilespmem:s26+$0x50] =	vst v2;
	s26 =	sadd.s32 $0x800, s26  }
0x4c: {  	s24 =	sadd.s32 $0x800, s24;
	v2 =	vld [tilespmem:s25+$0x20];
	[tilespmem:s26+$0x60] =	vst v6  }
0x4d: {  	v9 =	vld [tilespmem:s25+$0x30];
	[tilespmem:s24+$0x0] =	vst v5  }
0x4e: {  	[tilespmem:s26+$0xFFFFFC00] =	vst v8;
	v6 =	vld [tilespmem:s25+$0x3D0]  }
0x4f: {  	[tilespmem:s26+$0xFFFFFC10] =	vst v3;
	v5 =	vld [tilespmem:s25+$0x3E0]  }
.Ltmp3:
0x50: {  	[tilespmem:s26+$0xFFFFFC20] =	vst v4;
	v3 =	vld [tilespmem:s25+$0x3F0];
	(pc) =	sbr.rel @p2 .LBB1_4-.Ltmp3, $4  }
0x51: {  	[tilespmem:s26+$0xFFFFFC30] =	vst v7;
	v4 =	vld [tilespmem:s25+$0x400]  }
0x52: {  	[tilespmem:s26+$0xFFFFFC40] =	vst v1;
	v1 =	vld [tilespmem:s25+$0x410]  }
0x53: {  	[tilespmem:s26+$0xFFFFFC50] =	vst v2;
	v2 =	vld [tilespmem:s25+$0x420]  }
0x54: {  	s27 =	sadd.s32 $0x80, s27;
	s29 =	sand.u32 $0x300, s28;
	v7 =	vld [tilespmem:s25+$0xFFFFFFC0];
	[tilespmem:s26+$0xFFFFFC60] =	vst v9;
	s25 =	sadd.s32 $0x80, s25  }
0x55: {  	[tilespmem:s26+$0x0] =	vst v6  }
0x56: {  	[tilespmem:s26+$0x10] =	vst v5  }
0x57: {  	v49 =	vld [tilespmem:s25+$0x430];
	[tilespmem:s26+$0x20] =	vst v3  }
0x58: {  	v50 =	vld [tilespmem:s25+$0xFFFFFFD0];
	[tilespmem:s26+$0x30] =	vst v4  }
0x59: {  	v51 =	vld [tilespmem:s25+$0xFFFFFFE0];
	[tilespmem:s26+$0x40] =	vst v1  }
0x5a: {  	v52 =	vld [tilespmem:s25+$0xFFFFFFF0];
	[tilespmem:s26+$0x50] =	vst v2  }
0x5b: {  	s31 =	sadd.s32 $0x800, s26;
	v53 =	vld [tilespmem:s25+$0x0];
	[tilespmem:s26+$0xFFFFFBF0] =	vst v7  }
0x5c: {  	v54 =	vld [tilespmem:s25+$0x10];
	[tilespmem:s31+$0x60] =	vst v49  }
0x5d: {  	v55 =	vld [tilespmem:s25+$0x20];
	[tilespmem:s31+$0xFFFFFC00] =	vst v50  }
0x5e: {  	v56 =	vld [tilespmem:s25+$0x30];
	[tilespmem:s31+$0xFFFFFC10] =	vst v51  }
0x5f: {  	v57 =	vld [tilespmem:s25+$0x3D0];
	[tilespmem:s31+$0xFFFFFC20] =	vst v52  }
0x60: {  	v58 =	vld [tilespmem:s25+$0x3E0];
	[tilespmem:s31+$0xFFFFFC30] =	vst v53  }
0x61: {  	v59 =	vld [tilespmem:s25+$0x3F0];
	[tilespmem:s31+$0xFFFFFC40] =	vst v54  }
0x62: {  	v60 =	vld [tilespmem:s25+$0x400];
	[tilespmem:s31+$0xFFFFFC50] =	vst v55  }
0x63: {  	v61 =	vld [tilespmem:s25+$0xFFFFFFC0];
	[tilespmem:s31+$0xFFFFFC60] =	vst v56  }
0x64: {  	s27 =	sand.u32 $0x80, s28;
	s30 =	sadd.s32 s29, s19;
	v62 =	vld [tilespmem:s25+$0x410];
	[tilespmem:s31+$0x0] =	vst v57  }
0x65: {  	v63 =	vld [tilespmem:s25+$0x420];
	s23 =	sadd.s32 $0x1, s23;
	s27 =	sadd.s32 s27, s30;
	[tilespmem:s31+$0x10] =	vst v58  }
0x66: {  	p2 =	sne.s32 s23, $0x8;
	v0 =	vld.idx.msk [tilespmem:v0+s27+$0x400 ss:$0x1], $0xffff;
	[tilespmem:s31+$0x20] =	vst v59  }
.Ltmp4:
0x67: {  	[tilespmem:s31+$0x30] =	vst v60;
	(pc) =	sbr.rel @p2 .LBB1_3-.Ltmp4, $4  }
0x68: {  	[tilespmem:s31+$0xFFFFFBF0] =	vst v61  }
0x69: {  	[tilespmem:s31+$0x40] =	vst v62  }
0x6a: {  	s24 =	sadd.s32 $0x800, s24;
	s17 =	sadd.s32 $0x800, s17;
	[tilespmem:s31+$0x50] =	vst v63  }
0x6b: {  	s22 =	sadd.s32 $0x80, s22;
	p1 =	por !p1, !p1;
	s18 =	sadd.s32 $0x80, s18;
	[tilespmem:s24+$0x0] =	vst v0  }
0x6c: {  	s17 =	sshrl.u32 s15, $0x3  }
0x6d: {  	s18 =	sshll.u32 s13, $0x3;
	s17 =	smul.u32 $0x1800, s17  }
0x6e: {  	s27 =	sshll.u32 s15, $0x7;
	s18 =	sand.u32 $0xFFFFFC00, s18  }
0x6f: {  	s15 =	sand.u32 $0x380, s27;
	s17 =	sadd.s32 s17, s18  }
0x70: {  	s28 =	sand.u32 $0x7F, s13;
	s15 =	sor.u32 s15, s17  }
0x71: {  	s13 =	sor.u32 s28, s15;
	s15 =	smulhi.u32 $0xAAAAAAAB, s15  }
0x72: {  	s29 =	smulhi.u32 $0xAAAAAAAB, s13  }
0x73: {  	s14 =	smul.u32 $0x1800, s14  }
0x74: {  	s12 =	smul.u32 $0x300, s12;
	s15 =	sshrl.u32 s15, $0x9;
	s17 =	sshrl.u32 s29, $0x9  }
0x75: {  	s15 =	sand.u32 $0x7, s15;
	s17 =	smul.u32 $0x300, s17  }
0x76: {  	s15 =	smul.u32 $0x60, s15  }
.Ltmp5:
0x77: {  	s14 =	sadd.s32 s2, s14;
	s13 =	ssub.s32 s13, s17;
	(pc) =	sbr.rel .LBB1_7-.Ltmp5, $4  }
0x78: {  	s12 =	sadd.s32 s12, s14;
	s30 =	sand.u32 $0x7, s13  }
0x79: {  	s12 =	sadd.s32 s15, s12;
	s13 =	sshrl.u32 s13, $0x3;
	s14 =	sshll.u32 s30, $0x12  }
0x7a: {  	s12 =	sadd.s32 s13, s12;
	s31 =	sor.u32 $0x800, s14  }
0x7b: {  	[hbm4b:s12+s31] =	stream.strided.scatter [tilespmem:s16], [sflag:$0x2], $0x4000, s6, s31, $0x38;
	[tilespmem:$0x10000] =	vst v63  }
.LBB1_8:
0x7c: {  	_ =	sfence.sel $0x180000  }
0x7d: {  	s2 =	simm.s32 $0x1;
	[bflag:$0x0] =	sbarrier.arrive $0xFFFF  }
0x7e: {  	s31 =	simm.s32 $0x2;
	[sflag:s2] =	ssyncpa.u1 $0x1  }
0x7f: {  	[sflag:s31] =	ssyncpa.u1 $0x1  }
0x80: {  	p0 =	sne.s32 s1, $0x0;
	_ =	strace $0x90000047  }
0x81: {  	s0 =	sadd.s32 @!p0 $0x100000, s0;
	[bflag:$0x2] =	sbarrier.arrive $0xFFFF  }
0x82: {  	[sflag:s0] =	ssyncadd.tile.s32 @!p0 $0x1;
	_ =	shalt  }
.Lfunc_end1:
_tile_overlayer_lowered:
.L_overlay_start_2:
0x83: {  	(tag) =	ssettag $0x2  }
0x84: {  	s0 =	rddreg [dreg:$0x0];
	s2 =	stileid.u32  }
0x85: {  	s1 =	rddreg [dreg:$0x1];
	p0 =	sne.s32 s2, $0x0  }
0x86: {  	s3 =	rddreg [dreg:$0x2];
	[bflag:$0x3] =	sbarrier.arrive $0xFFFF;
	s2 =	simm.s32 @!p0 $0x1C01  }
0x87: {  	[timem:s3], [sflag:s2] =	dma.local @!p0 [hbm:s0], s1  }
0x88: {  	s0 =	simm.s32 @!p0 $0x1  }
0x89: {  	_ =	swait.ge @!p0 [sflag:s0], s1  }
0x8a: {  	s1 =	ssub.s32 @!p0 $0x0, s1;
	[sflag:s0] =	ssyncset.done @!p0 $0x0  }
0x8b: {  	[sflag:s0] =	ssyncadd.s32 @!p0 s1  }
0x8c: {  	[bflag:$0x3] =	sbarrier.arrive $0xFFFF  }
0x8d: {  	_ =	shalt  }

</sc_bundles>
